<compile_context>
chip_gen: v7x
topology: tpu7x:2x2x1
jax: 0.10.2.dev20260603
libtpu: 0.0.44.dev20260713+nightly
codegen_flags: <defaults>
</compile_context>

<pallas_src>
import functools

import jax
import jax.numpy as jnp
from jax import lax
from jax.experimental import pallas as pl
from jax.experimental.pallas import tpu as pltpu
from jax.experimental.pallas import tpu_sc as plsc

N = 10000
E = 320000
D = 128

NC = 2
NS = 16
NW = NC * NS

CH = 128
EPW = 10240
E_PAD = EPW * NW
N_PAD = 10112
RZ = N_PAD // NS


CPW = EPW // CH
NBUF = 2
HALF = CPW // 2


def _sc_agg_body(x_hbm, src_hbm, dst_hbm, zeros_hbm, out_hbm,
                 src_sl, dst_sl, rows, sems, agg_sh):
    c = lax.axis_index("c")
    s = lax.axis_index("s")
    wid = c * NS + s

    pltpu.sync_copy(zeros_hbm.at[pl.ds(s * RZ, RZ)], agg_sh.at[pl.ds(s * RZ, RZ)])
    plsc.subcore_barrier()

    def start_gather(j, b):
        pltpu.make_async_copy(x_hbm.at[src_sl.at[j]], rows[b], sems[b]).start()

    def wait_gather(j, b):
        pltpu.make_async_copy(x_hbm.at[src_sl.at[j]], rows[b], sems[b]).wait()

    for p in range(2):
        pltpu.sync_copy(src_hbm.at[wid, pl.ds(p * HALF, HALF)], src_sl)
        pltpu.sync_copy(dst_hbm.at[wid, pl.ds(p * HALF, HALF)], dst_sl)

        for b in range(NBUF):
            start_gather(b, b)

        def body(i, carry):
            j0 = i * NBUF
            for b in range(NBUF):
                j = j0 + b
                wait_gather(j, b)
                pltpu.sync_copy(rows[b], agg_sh.at[dst_sl.at[j]], add=True)

                @pl.when(j + NBUF < HALF)
                def _():
                    start_gather(j + NBUF, b)

            return carry

        lax.fori_loop(0, HALF // NBUF, body, 0)

    plsc.subcore_barrier()

    pltpu.sync_copy(agg_sh.at[pl.ds(s * RZ, RZ)], out_hbm.at[c, pl.ds(s * RZ, RZ)])


_sc_agg = functools.partial(
    pl.kernel,
    out_type=jax.ShapeDtypeStruct((NC, N_PAD, D), jnp.float32),
    mesh=plsc.VectorSubcoreMesh(core_axis_name="c", subcore_axis_name="s"),
    scratch_types=[
        pltpu.VMEM((HALF, CH), jnp.int32),
        pltpu.VMEM((HALF, CH), jnp.int32),
        [pltpu.VMEM((CH, D), jnp.float32)] * NBUF,
        [pltpu.SemaphoreType.DMA] * NBUF,
        pltpu.VMEM_SHARED((N_PAD, D), jnp.float32),
    ],
)(_sc_agg_body)


def _leaky(x):
    return jnp.where(x > 0, x, 0.01 * x)


BR = 1000


def _tc1_body(x_ref, p_ref, w_ref, b_ref, o_ref):
    h = x_ref[...] + p_ref[0] + p_ref[1]
    y = jnp.dot(h, w_ref[...], preferred_element_type=jnp.float32) + b_ref[...]
    o_ref[...] = _leaky(y)


def _tc2_body(x_ref, p_ref, w2, b2, wl1, bl1, wl2, bl2, wl3, bl3, wl4, bl4,
              wl5, bl5, o_ref):
    h = x_ref[...] + p_ref[0] + p_ref[1]
    h = _leaky(jnp.dot(h, w2[...], preferred_element_type=jnp.float32) + b2[...])
    h = _leaky(jnp.dot(h, wl1[...], preferred_element_type=jnp.float32) + bl1[...])
    h = _leaky(jnp.dot(h, wl2[...], preferred_element_type=jnp.float32) + bl2[...])
    h = _leaky(jnp.dot(h, wl3[...], preferred_element_type=jnp.float32) + bl3[...])
    h = _leaky(jnp.dot(h, wl4[...], preferred_element_type=jnp.float32) + bl4[...])
    o_ref[...] = jnp.dot(h, wl5[...], preferred_element_type=jnp.float32) + bl5[...]


def _row_spec():
    return pl.BlockSpec((BR, D), lambda i: (i, 0))


def _agg_spec():
    return pl.BlockSpec((NC, BR, D), lambda i: (0, i, 0))


def _w_spec():
    return pl.BlockSpec((D, D), lambda i: (0, 0))


def _b_spec():
    return pl.BlockSpec((1, D), lambda i: (0, 0))


def _tc1(x, agg, w, b):
    return pl.pallas_call(
        _tc1_body,
        grid=(N // BR,),
        in_specs=[_row_spec(), _agg_spec(), _w_spec(), _b_spec()],
        out_specs=_row_spec(),
        out_shape=jax.ShapeDtypeStruct((N, D), jnp.float32),
    )(x, agg, w, b)


def _tc2(x, agg, w2, b2, wl1, bl1, wl2, bl2, wl3, bl3, wl4, bl4, wl5, bl5):
    wb_specs = [_w_spec(), _b_spec()] * 6
    return pl.pallas_call(
        _tc2_body,
        grid=(N // BR,),
        in_specs=[_row_spec(), _agg_spec()] + wb_specs,
        out_specs=_row_spec(),
        out_shape=jax.ShapeDtypeStruct((N, D), jnp.float32),
    )(x, agg, w2, b2, wl1, bl1, wl2, bl2, wl3, bl3, wl4, bl4, wl5, bl5)


def kernel(feats, edge_index, W1, b1, W2, b2, Wl1, bl1, Wl2, bl2, Wl3, bl3,
           Wl4, bl4, Wl5, bl5):
    src = edge_index[0].astype(jnp.int32)
    dst = edge_index[1].astype(jnp.int32)
    npad = E_PAD - E
    src = jnp.concatenate([src, jnp.zeros((npad,), jnp.int32)])
    dst = jnp.concatenate([dst, jnp.full((npad,), N, jnp.int32)])
    src = src.reshape(NW, CPW, CH)
    dst = dst.reshape(NW, CPW, CH)
    zeros = jnp.zeros((N_PAD, D), jnp.float32)

    b1r = b1.reshape(1, D)
    b2r = b2.reshape(1, D)
    bl1r = bl1.reshape(1, D)
    bl2r = bl2.reshape(1, D)
    bl3r = bl3.reshape(1, D)
    bl4r = bl4.reshape(1, D)
    bl5r = bl5.reshape(1, D)

    agg1 = _sc_agg(feats, src, dst, zeros)
    h1 = _tc1(feats, agg1, W1, b1r)
    agg2 = _sc_agg(h1, src, dst, zeros)
    out = _tc2(h1, agg2, W2, b2r, Wl1, bl1r, Wl2, bl2r, Wl3, bl3r, Wl4, bl4r,
               Wl5, bl5r)
    return out

# --- scband reference (transcript-rebuilt; emitter-appended) ---
"""Pipeline reference for scband-gin-13975823581719 (READ-ONLY COPY).

The authoritative reference and input builder live on the scoring server;
editing this copy changes nothing except your own understanding.
"""

import jax, jax.numpy as jnp
import numpy as np

N = 10000
E = 320000
D_IN = 128
H = 128
D_OUT = 128


def setup_inputs(seed: int = 0) -> dict:
    key = jax.random.key(seed)
    ks = jax.random.split(key, 16)
    feats = jax.random.normal(ks[0], (N, D_IN), dtype=jnp.float32)
    edge_index = jax.random.randint(ks[1], (2, E), 0, N, dtype=jnp.int64)
    s = 0.05
    W1 = jax.random.normal(ks[2], (D_IN, H), dtype=jnp.float32) * s
    b1 = jnp.zeros((H,), dtype=jnp.float32)
    W2 = jax.random.normal(ks[3], (H, H), dtype=jnp.float32) * s
    b2 = jnp.zeros((H,), dtype=jnp.float32)
    Wl1 = jax.random.normal(ks[4], (H, H), dtype=jnp.float32) * s
    bl1 = jnp.zeros((H,), dtype=jnp.float32)
    Wl2 = jax.random.normal(ks[5], (H, H), dtype=jnp.float32) * s
    bl2 = jnp.zeros((H,), dtype=jnp.float32)
    Wl3 = jax.random.normal(ks[6], (H, H), dtype=jnp.float32) * s
    bl3 = jnp.zeros((H,), dtype=jnp.float32)
    Wl4 = jax.random.normal(ks[7], (H, H), dtype=jnp.float32) * s
    bl4 = jnp.zeros((H,), dtype=jnp.float32)
    Wl5 = jax.random.normal(ks[8], (H, D_OUT), dtype=jnp.float32) * s
    bl5 = jnp.zeros((D_OUT,), dtype=jnp.float32)
    return {"feats": feats, "edge_index": edge_index,
            "W1": W1, "b1": b1, "W2": W2, "b2": b2,
            "Wl1": Wl1, "bl1": bl1, "Wl2": Wl2, "bl2": bl2,
            "Wl3": Wl3, "bl3": bl3, "Wl4": Wl4, "bl4": bl4,
            "Wl5": Wl5, "bl5": bl5}


def _leaky(x):
    return jnp.where(x > 0, x, 0.01 * x)


def _gin_conv(x, src, dst, W, b):
    # DGL GINConv, aggregator_type='sum', eps=0 (not learned):
    # rst = (1 + eps) * x + sum_{j in N(i)} x_j ; then apply_func (Linear)
    agg = jnp.zeros((x.shape[0], x.shape[1]), dtype=x.dtype).at[dst].add(x[src])
    h = x + agg
    return h @ W + b


def reference(feats, edge_index, W1, b1, W2, b2, Wl1, bl1, Wl2, bl2, Wl3, bl3, Wl4, bl4, Wl5, bl5):
    src = edge_index[0]
    dst = edge_index[1]
    h = _leaky(_gin_conv(feats, src, dst, W1, b1))
    h = _leaky(_gin_conv(h, src, dst, W2, b2))
    h = _leaky(h @ Wl1 + bl1)
    h = _leaky(h @ Wl2 + bl2)
    h = _leaky(h @ Wl3 + bl3)
    h = _leaky(h @ Wl4 + bl4)
    h = h @ Wl5 + bl5
    return h

if __name__ == "__main__":
    import jax
    _d = setup_inputs()
    print(jax.jit(kernel)(*tuple(_d.values())))

</pallas_src>

<mosaic_0001>
#map = affine_map<(d0, d1) -> (0, 0)>
#map1 = affine_map<(d0, d1) -> (0, 0, 0)>
module attributes {stable_mosaic.version = 14 : i64} {
  func.func @_sc_agg_body(%arg0: i32, %arg1: i32, %arg2: memref<10000x128xf32, #tpu.memory_space<hbm>>, %arg3: memref<32x80x128xi32, #tpu.memory_space<hbm>>, %arg4: memref<32x80x128xi32, #tpu.memory_space<hbm>>, %arg5: memref<10112x128xf32, #tpu.memory_space<hbm>>, %arg6: memref<2x10112x128xf32, #tpu.memory_space<hbm>>, %arg7: memref<40x128xi32, #tpu.memory_space<vmem>>, %arg8: memref<40x128xi32, #tpu.memory_space<vmem>>, %arg9: memref<128x128xf32, #tpu.memory_space<vmem>>, %arg10: memref<128x128xf32, #tpu.memory_space<vmem>>, %arg11: memref<!tpu.dma_semaphore, #tpu.memory_space<semaphore_mem>>, %arg12: memref<!tpu.dma_semaphore, #tpu.memory_space<semaphore_mem>>, %arg13: memref<10112x128xf32, #tpu.memory_space<vmem_shared>>) attributes {dimension_semantics = [#tpu.dimension_semantics<core_parallel>, #tpu.dimension_semantics<subcore_parallel>], iteration_bounds = array<i64: 2, 16>, scalar_prefetch = 0 : i64, scratch_operands = 7 : i64, tpu.core_type = #tpu.core_type<sc_vector_subcore>, window_params = [{transform_indices = #map}, {transform_indices = #map1}, {transform_indices = #map1}, {transform_indices = #map}, {transform_indices = #map1}]} {
    %mul3A = arith.constant 16 : i32
    %mul3A_0 = arith.muli %arg0, %mul3A : i32
    %add3A = arith.addi %mul3A_0, %arg1 : i32
    %mul3A_1 = arith.constant 632 : i32
    %mul3A_2 = arith.muli %arg1, %mul3A_1 : i32
    %mul3A_3 = arith.constant 632 : i32
    %mul3A_4 = arith.muli %arg1, %mul3A_3 : i32
    "tpu.region"() ({
      %run_scoped3A = tpu.sem_alloc : memref<!tpu.dma_semaphore, #tpu.memory_space<semaphore_mem>>
      %dma_start3A_48 = arith.constant 0 : i32
      %dma_start3A_49 = tpu.memref_slice %arg13[%mul3A_4, %dma_start3A_48] : memref<10112x128xf32, #tpu.memory_space<vmem_shared>> -> memref<632x128xf32, #tpu.memory_space<vmem_shared>>
      %dma_start3A_50 = arith.constant 0 : i32
      %dma_start3A_51 = tpu.memref_slice %arg5[%mul3A_2, %dma_start3A_50] : memref<10112x128xf32, #tpu.memory_space<hbm>> -> memref<632x128xf32, #tpu.memory_space<hbm>>
      tpu.enqueue_dma source(%dma_start3A_51 : memref<632x128xf32, #tpu.memory_space<hbm>>) target(%dma_start3A_49 : memref<632x128xf32, #tpu.memory_space<vmem_shared>>) target_semaphore(%run_scoped3A : memref<!tpu.dma_semaphore, #tpu.memory_space<semaphore_mem>>)
      %dma_wait3A = arith.constant 0 : i32
      %dma_wait3A_52 = tpu.memref_slice %arg13[%mul3A_4, %dma_wait3A] : memref<10112x128xf32, #tpu.memory_space<vmem_shared>> -> memref<632x128xf32, #tpu.memory_space<vmem_shared>>
      %dma_wait3A_53 = arith.constant 0 : i32
      %dma_wait3A_54 = tpu.memref_slice %arg5[%mul3A_2, %dma_wait3A_53] : memref<10112x128xf32, #tpu.memory_space<hbm>> -> memref<632x128xf32, #tpu.memory_space<hbm>>
      tpu.wait_dma2 semaphore(%run_scoped3A : memref<!tpu.dma_semaphore, #tpu.memory_space<semaphore_mem>>) src(%dma_wait3A_54 : memref<632x128xf32, #tpu.memory_space<hbm>>) dst(%dma_wait3A_52 : memref<632x128xf32, #tpu.memory_space<vmem_shared>>)
      tpu.yield
    }) : () -> ()
    %barrier3A = arith.constant 0 : index
    tpu.barrier barrier_id(%barrier3A)
    "tpu.region"() ({
      %run_scoped3A = tpu.sem_alloc : memref<!tpu.dma_semaphore, #tpu.memory_space<semaphore_mem>>
      %dma_start3A_48 = arith.constant 0 : i32
      %dma_start3A_49 = arith.constant 0 : i32
      %dma_start3A_50 = tpu.memref_slice %arg3[%add3A, %dma_start3A_48, %dma_start3A_49] : memref<32x80x128xi32, #tpu.memory_space<hbm>> -> memref<1x40x128xi32, #tpu.memory_space<hbm>>
      %dma_start3A_51 = tpu.memref_squeeze %dma_start3A_50 : memref<1x40x128xi32, #tpu.memory_space<hbm>> -> memref<40x128xi32, #tpu.memory_space<hbm>>
      %dma_start3A_52 = arith.constant 0 : i32
      %dma_start3A_53 = arith.constant 0 : i32
      %dma_start3A_54 = tpu.memref_slice %arg3[%add3A, %dma_start3A_52, %dma_start3A_53] : memref<32x80x128xi32, #tpu.memory_space<hbm>> -> memref<1x40x128xi32, #tpu.memory_space<hbm>>
      %dma_start3A_55 = tpu.memref_squeeze %dma_start3A_54 : memref<1x40x128xi32, #tpu.memory_space<hbm>> -> memref<40x128xi32, #tpu.memory_space<hbm>>
      tpu.enqueue_dma source(%dma_start3A_55 : memref<40x128xi32, #tpu.memory_space<hbm>>) target(%arg7 : memref<40x128xi32, #tpu.memory_space<vmem>>) target_semaphore(%run_scoped3A : memref<!tpu.dma_semaphore, #tpu.memory_space<semaphore_mem>>)
      %dma_wait3A = arith.constant 0 : i32
      %dma_wait3A_56 = arith.constant 0 : i32
      %dma_wait3A_57 = tpu.memref_slice %arg3[%add3A, %dma_wait3A, %dma_wait3A_56] : memref<32x80x128xi32, #tpu.memory_space<hbm>> -> memref<1x40x128xi32, #tpu.memory_space<hbm>>
      %dma_wait3A_58 = tpu.memref_squeeze %dma_wait3A_57 : memref<1x40x128xi32, #tpu.memory_space<hbm>> -> memref<40x128xi32, #tpu.memory_space<hbm>>
      %dma_wait3A_59 = arith.constant 0 : i32
      %dma_wait3A_60 = arith.constant 0 : i32
      %dma_wait3A_61 = tpu.memref_slice %arg3[%add3A, %dma_wait3A_59, %dma_wait3A_60] : memref<32x80x128xi32, #tpu.memory_space<hbm>> -> memref<1x40x128xi32, #tpu.memory_space<hbm>>
      %dma_wait3A_62 = tpu.memref_squeeze %dma_wait3A_61 : memref<1x40x128xi32, #tpu.memory_space<hbm>> -> memref<40x128xi32, #tpu.memory_space<hbm>>
      tpu.wait_dma2 semaphore(%run_scoped3A : memref<!tpu.dma_semaphore, #tpu.memory_space<semaphore_mem>>) src(%dma_wait3A_62 : memref<40x128xi32, #tpu.memory_space<hbm>>) dst(%arg7 : memref<40x128xi32, #tpu.memory_space<vmem>>)
      tpu.yield
    }) : () -> ()
    "tpu.region"() ({
      %run_scoped3A = tpu.sem_alloc : memref<!tpu.dma_semaphore, #tpu.memory_space<semaphore_mem>>
      %dma_start3A_48 = arith.constant 0 : i32
      %dma_start3A_49 = arith.constant 0 : i32
      %dma_start3A_50 = tpu.memref_slice %arg4[%add3A, %dma_start3A_48, %dma_start3A_49] : memref<32x80x128xi32, #tpu.memory_space<hbm>> -> memref<1x40x128xi32, #tpu.memory_space<hbm>>
      %dma_start3A_51 = tpu.memref_squeeze %dma_start3A_50 : memref<1x40x128xi32, #tpu.memory_space<hbm>> -> memref<40x128xi32, #tpu.memory_space<hbm>>
      %dma_start3A_52 = arith.constant 0 : i32
      %dma_start3A_53 = arith.constant 0 : i32
      %dma_start3A_54 = tpu.memref_slice %arg4[%add3A, %dma_start3A_52, %dma_start3A_53] : memref<32x80x128xi32, #tpu.memory_space<hbm>> -> memref<1x40x128xi32, #tpu.memory_space<hbm>>
      %dma_start3A_55 = tpu.memref_squeeze %dma_start3A_54 : memref<1x40x128xi32, #tpu.memory_space<hbm>> -> memref<40x128xi32, #tpu.memory_space<hbm>>
      tpu.enqueue_dma source(%dma_start3A_55 : memref<40x128xi32, #tpu.memory_space<hbm>>) target(%arg8 : memref<40x128xi32, #tpu.memory_space<vmem>>) target_semaphore(%run_scoped3A : memref<!tpu.dma_semaphore, #tpu.memory_space<semaphore_mem>>)
      %dma_wait3A = arith.constant 0 : i32
      %dma_wait3A_56 = arith.constant 0 : i32
      %dma_wait3A_57 = tpu.memref_slice %arg4[%add3A, %dma_wait3A, %dma_wait3A_56] : memref<32x80x128xi32, #tpu.memory_space<hbm>> -> memref<1x40x128xi32, #tpu.memory_space<hbm>>
      %dma_wait3A_58 = tpu.memref_squeeze %dma_wait3A_57 : memref<1x40x128xi32, #tpu.memory_space<hbm>> -> memref<40x128xi32, #tpu.memory_space<hbm>>
      %dma_wait3A_59 = arith.constant 0 : i32
      %dma_wait3A_60 = arith.constant 0 : i32
      %dma_wait3A_61 = tpu.memref_slice %arg4[%add3A, %dma_wait3A_59, %dma_wait3A_60] : memref<32x80x128xi32, #tpu.memory_space<hbm>> -> memref<1x40x128xi32, #tpu.memory_space<hbm>>
      %dma_wait3A_62 = tpu.memref_squeeze %dma_wait3A_61 : memref<1x40x128xi32, #tpu.memory_space<hbm>> -> memref<40x128xi32, #tpu.memory_space<hbm>>
      tpu.wait_dma2 semaphore(%run_scoped3A : memref<!tpu.dma_semaphore, #tpu.memory_space<semaphore_mem>>) src(%dma_wait3A_62 : memref<40x128xi32, #tpu.memory_space<hbm>>) dst(%arg8 : memref<40x128xi32, #tpu.memory_space<vmem>>)
      tpu.yield
    }) : () -> ()
    %dma_start3A = arith.constant 0 : i32
    %dma_start3A_5 = arith.constant 0 : i32
    %dma_start3A_6 = tpu.memref_slice %arg7[%dma_start3A, %dma_start3A_5] : memref<40x128xi32, #tpu.memory_space<vmem>> -> memref<1x128xi32, #tpu.memory_space<vmem>>
    %dma_start3A_7 = tpu.memref_squeeze %dma_start3A_6 : memref<1x128xi32, #tpu.memory_space<vmem>> -> memref<128xi32, #tpu.memory_space<vmem>>
    %dma_start3A_8 = arith.constant 0 : i32
    %dma_start3A_9 = arith.constant 0 : i32
    %dma_start3A_10 = tpu.memref_slice %arg2[%dma_start3A_8, %dma_start3A_9] : memref<10000x128xf32, #tpu.memory_space<hbm>> -> memref<10000x128xf32, #tpu.memory_space<hbm>>
    tpu.enqueue_indirect_dma source(%dma_start3A_10 : memref<10000x128xf32, #tpu.memory_space<hbm>>) target(%arg9 : memref<128x128xf32, #tpu.memory_space<vmem>>) offsets(%dma_start3A_7 : memref<128xi32, #tpu.memory_space<vmem>>) semaphore(%arg11 : memref<!tpu.dma_semaphore, #tpu.memory_space<semaphore_mem>>)
    %dma_start3A_11 = arith.constant 1 : i32
    %dma_start3A_12 = arith.constant 0 : i32
    %dma_start3A_13 = tpu.memref_slice %arg7[%dma_start3A_11, %dma_start3A_12] : memref<40x128xi32, #tpu.memory_space<vmem>> -> memref<1x128xi32, #tpu.memory_space<vmem>>
    %dma_start3A_14 = tpu.memref_squeeze %dma_start3A_13 : memref<1x128xi32, #tpu.memory_space<vmem>> -> memref<128xi32, #tpu.memory_space<vmem>>
    %dma_start3A_15 = arith.constant 0 : i32
    %dma_start3A_16 = arith.constant 0 : i32
    %dma_start3A_17 = tpu.memref_slice %arg2[%dma_start3A_15, %dma_start3A_16] : memref<10000x128xf32, #tpu.memory_space<hbm>> -> memref<10000x128xf32, #tpu.memory_space<hbm>>
    tpu.enqueue_indirect_dma source(%dma_start3A_17 : memref<10000x128xf32, #tpu.memory_space<hbm>>) target(%arg10 : memref<128x128xf32, #tpu.memory_space<vmem>>) offsets(%dma_start3A_14 : memref<128xi32, #tpu.memory_space<vmem>>) semaphore(%arg12 : memref<!tpu.dma_semaphore, #tpu.memory_space<semaphore_mem>>)
    %scan3A = arith.constant 0 : i32
    %scan3A_18 = arith.constant 0 : i32
    %scan3A_19 = arith.constant 20 : i32
    %scan3A_20 = arith.addi %scan3A_18, %scan3A_19 : i32
    %scan3A_21 = arith.constant 1 : i32
    scf.for %scan3A_48 = %scan3A_18 to %scan3A_20 step %scan3A_21  : i32 {
      %mul3A_49 = arith.constant 2 : i32
      %mul3A_50 = arith.muli %scan3A_48, %mul3A_49 : i32
      %add3A_51 = arith.constant 0 : i32
      %add3A_52 = arith.addi %mul3A_50, %add3A_51 : i32
      %dma_wait3A = arith.constant 0 : i32
      %dma_wait3A_53 = tpu.memref_slice %arg7[%add3A_52, %dma_wait3A] : memref<40x128xi32, #tpu.memory_space<vmem>> -> memref<1x128xi32, #tpu.memory_space<vmem>>
      %dma_wait3A_54 = tpu.memref_squeeze %dma_wait3A_53 : memref<1x128xi32, #tpu.memory_space<vmem>> -> memref<128xi32, #tpu.memory_space<vmem>>
      %dma_wait3A_55 = arith.constant 0 : i32
      %dma_wait3A_56 = arith.constant 0 : i32
      %dma_wait3A_57 = tpu.memref_slice %arg2[%dma_wait3A_55, %dma_wait3A_56] : memref<10000x128xf32, #tpu.memory_space<hbm>> -> memref<10000x128xf32, #tpu.memory_space<hbm>>
      tpu.wait_indirect_dma semaphore(%arg11 : memref<!tpu.dma_semaphore, #tpu.memory_space<semaphore_mem>>) src(%dma_wait3A_57 : memref<10000x128xf32, #tpu.memory_space<hbm>>) dst(%arg9 : memref<128x128xf32, #tpu.memory_space<vmem>>)
      "tpu.region"() ({
        %run_scoped3A = tpu.sem_alloc : memref<!tpu.dma_semaphore, #tpu.memory_space<semaphore_mem>>
        %dma_start3A_77 = arith.constant 0 : i32
        %dma_start3A_78 = tpu.memref_slice %arg8[%add3A_52, %dma_start3A_77] : memref<40x128xi32, #tpu.memory_space<vmem>> -> memref<1x128xi32, #tpu.memory_space<vmem>>
        %dma_start3A_79 = tpu.memref_squeeze %dma_start3A_78 : memref<1x128xi32, #tpu.memory_space<vmem>> -> memref<128xi32, #tpu.memory_space<vmem>>
        %dma_start3A_80 = arith.constant 0 : i32
        %dma_start3A_81 = arith.constant 0 : i32
        %dma_start3A_82 = tpu.memref_slice %arg13[%dma_start3A_80, %dma_start3A_81] : memref<10112x128xf32, #tpu.memory_space<vmem_shared>> -> memref<10112x128xf32, #tpu.memory_space<vmem_shared>>
        tpu.enqueue_indirect_dma source(%arg9 : memref<128x128xf32, #tpu.memory_space<vmem>>) target(%dma_start3A_82 : memref<10112x128xf32, #tpu.memory_space<vmem_shared>>) offsets(%dma_start3A_79 : memref<128xi32, #tpu.memory_space<vmem>>) semaphore(%run_scoped3A : memref<!tpu.dma_semaphore, #tpu.memory_space<semaphore_mem>>) {add = true}
        %dma_wait3A_83 = arith.constant 0 : i32
        %dma_wait3A_84 = tpu.memref_slice %arg8[%add3A_52, %dma_wait3A_83] : memref<40x128xi32, #tpu.memory_space<vmem>> -> memref<1x128xi32, #tpu.memory_space<vmem>>
        %dma_wait3A_85 = tpu.memref_squeeze %dma_wait3A_84 : memref<1x128xi32, #tpu.memory_space<vmem>> -> memref<128xi32, #tpu.memory_space<vmem>>
        %dma_wait3A_86 = arith.constant 0 : i32
        %dma_wait3A_87 = arith.constant 0 : i32
        %dma_wait3A_88 = tpu.memref_slice %arg13[%dma_wait3A_86, %dma_wait3A_87] : memref<10112x128xf32, #tpu.memory_space<vmem_shared>> -> memref<10112x128xf32, #tpu.memory_space<vmem_shared>>
        tpu.wait_indirect_dma semaphore(%run_scoped3A : memref<!tpu.dma_semaphore, #tpu.memory_space<semaphore_mem>>) src(%arg9 : memref<128x128xf32, #tpu.memory_space<vmem>>) dst(%dma_wait3A_88 : memref<10112x128xf32, #tpu.memory_space<vmem_shared>>)
        tpu.yield
      }) : () -> ()
      %add3A_58 = arith.constant 2 : i32
      %add3A_59 = arith.addi %add3A_52, %add3A_58 : i32
      %lt3A = arith.constant 40 : i32
      %lt3A_60 = arith.cmpi slt, %add3A_59, %lt3A : i32
      %convert_element_type3A = arith.extui %lt3A_60 : i1 to i32
      %cond3A = arith.constant 0 : i32
      %cond3A_61 = arith.cmpi ne, %convert_element_type3A, %cond3A : i32
      scf.if %cond3A_61 {
        %add3A_77 = arith.constant 2 : i32
        %add3A_78 = arith.addi %add3A_52, %add3A_77 : i32
        %dma_start3A_79 = arith.constant 0 : i32
        %dma_start3A_80 = tpu.memref_slice %arg7[%add3A_78, %dma_start3A_79] : memref<40x128xi32, #tpu.memory_space<vmem>> -> memref<1x128xi32, #tpu.memory_space<vmem>>
        %dma_start3A_81 = tpu.memref_squeeze %dma_start3A_80 : memref<1x128xi32, #tpu.memory_space<vmem>> -> memref<128xi32, #tpu.memory_space<vmem>>
        %dma_start3A_82 = arith.constant 0 : i32
        %dma_start3A_83 = arith.constant 0 : i32
        %dma_start3A_84 = tpu.memref_slice %arg2[%dma_start3A_82, %dma_start3A_83] : memref<10000x128xf32, #tpu.memory_space<hbm>> -> memref<10000x128xf32, #tpu.memory_space<hbm>>
        tpu.enqueue_indirect_dma source(%dma_start3A_84 : memref<10000x128xf32, #tpu.memory_space<hbm>>) target(%arg9 : memref<128x128xf32, #tpu.memory_space<vmem>>) offsets(%dma_start3A_81 : memref<128xi32, #tpu.memory_space<vmem>>) semaphore(%arg11 : memref<!tpu.dma_semaphore, #tpu.memory_space<semaphore_mem>>)
      } else {
      }
      %add3A_62 = arith.constant 1 : i32
      %add3A_63 = arith.addi %mul3A_50, %add3A_62 : i32
      %dma_wait3A_64 = arith.constant 0 : i32
      %dma_wait3A_65 = tpu.memref_slice %arg7[%add3A_63, %dma_wait3A_64] : memref<40x128xi32, #tpu.memory_space<vmem>> -> memref<1x128xi32, #tpu.memory_space<vmem>>
      %dma_wait3A_66 = tpu.memref_squeeze %dma_wait3A_65 : memref<1x128xi32, #tpu.memory_space<vmem>> -> memref<128xi32, #tpu.memory_space<vmem>>
      %dma_wait3A_67 = arith.constant 0 : i32
      %dma_wait3A_68 = arith.constant 0 : i32
      %dma_wait3A_69 = tpu.memref_slice %arg2[%dma_wait3A_67, %dma_wait3A_68] : memref<10000x128xf32, #tpu.memory_space<hbm>> -> memref<10000x128xf32, #tpu.memory_space<hbm>>
      tpu.wait_indirect_dma semaphore(%arg12 : memref<!tpu.dma_semaphore, #tpu.memory_space<semaphore_mem>>) src(%dma_wait3A_69 : memref<10000x128xf32, #tpu.memory_space<hbm>>) dst(%arg10 : memref<128x128xf32, #tpu.memory_space<vmem>>)
      "tpu.region"() ({
        %run_scoped3A = tpu.sem_alloc : memref<!tpu.dma_semaphore, #tpu.memory_space<semaphore_mem>>
        %dma_start3A_77 = arith.constant 0 : i32
        %dma_start3A_78 = tpu.memref_slice %arg8[%add3A_63, %dma_start3A_77] : memref<40x128xi32, #tpu.memory_space<vmem>> -> memref<1x128xi32, #tpu.memory_space<vmem>>
        %dma_start3A_79 = tpu.memref_squeeze %dma_start3A_78 : memref<1x128xi32, #tpu.memory_space<vmem>> -> memref<128xi32, #tpu.memory_space<vmem>>
        %dma_start3A_80 = arith.constant 0 : i32
        %dma_start3A_81 = arith.constant 0 : i32
        %dma_start3A_82 = tpu.memref_slice %arg13[%dma_start3A_80, %dma_start3A_81] : memref<10112x128xf32, #tpu.memory_space<vmem_shared>> -> memref<10112x128xf32, #tpu.memory_space<vmem_shared>>
        tpu.enqueue_indirect_dma source(%arg10 : memref<128x128xf32, #tpu.memory_space<vmem>>) target(%dma_start3A_82 : memref<10112x128xf32, #tpu.memory_space<vmem_shared>>) offsets(%dma_start3A_79 : memref<128xi32, #tpu.memory_space<vmem>>) semaphore(%run_scoped3A : memref<!tpu.dma_semaphore, #tpu.memory_space<semaphore_mem>>) {add = true}
        %dma_wait3A_83 = arith.constant 0 : i32
        %dma_wait3A_84 = tpu.memref_slice %arg8[%add3A_63, %dma_wait3A_83] : memref<40x128xi32, #tpu.memory_space<vmem>> -> memref<1x128xi32, #tpu.memory_space<vmem>>
        %dma_wait3A_85 = tpu.memref_squeeze %dma_wait3A_84 : memref<1x128xi32, #tpu.memory_space<vmem>> -> memref<128xi32, #tpu.memory_space<vmem>>
        %dma_wait3A_86 = arith.constant 0 : i32
        %dma_wait3A_87 = arith.constant 0 : i32
        %dma_wait3A_88 = tpu.memref_slice %arg13[%dma_wait3A_86, %dma_wait3A_87] : memref<10112x128xf32, #tpu.memory_space<vmem_shared>> -> memref<10112x128xf32, #tpu.memory_space<vmem_shared>>
        tpu.wait_indirect_dma semaphore(%run_scoped3A : memref<!tpu.dma_semaphore, #tpu.memory_space<semaphore_mem>>) src(%arg10 : memref<128x128xf32, #tpu.memory_space<vmem>>) dst(%dma_wait3A_88 : memref<10112x128xf32, #tpu.memory_space<vmem_shared>>)
        tpu.yield
      }) : () -> ()
      %add3A_70 = arith.constant 2 : i32
      %add3A_71 = arith.addi %add3A_63, %add3A_70 : i32
      %lt3A_72 = arith.constant 40 : i32
      %lt3A_73 = arith.cmpi slt, %add3A_71, %lt3A_72 : i32
      %convert_element_type3A_74 = arith.extui %lt3A_73 : i1 to i32
      %cond3A_75 = arith.constant 0 : i32
      %cond3A_76 = arith.cmpi ne, %convert_element_type3A_74, %cond3A_75 : i32
      scf.if %cond3A_76 {
        %add3A_77 = arith.constant 2 : i32
        %add3A_78 = arith.addi %add3A_63, %add3A_77 : i32
        %dma_start3A_79 = arith.constant 0 : i32
        %dma_start3A_80 = tpu.memref_slice %arg7[%add3A_78, %dma_start3A_79] : memref<40x128xi32, #tpu.memory_space<vmem>> -> memref<1x128xi32, #tpu.memory_space<vmem>>
        %dma_start3A_81 = tpu.memref_squeeze %dma_start3A_80 : memref<1x128xi32, #tpu.memory_space<vmem>> -> memref<128xi32, #tpu.memory_space<vmem>>
        %dma_start3A_82 = arith.constant 0 : i32
        %dma_start3A_83 = arith.constant 0 : i32
        %dma_start3A_84 = tpu.memref_slice %arg2[%dma_start3A_82, %dma_start3A_83] : memref<10000x128xf32, #tpu.memory_space<hbm>> -> memref<10000x128xf32, #tpu.memory_space<hbm>>
        tpu.enqueue_indirect_dma source(%dma_start3A_84 : memref<10000x128xf32, #tpu.memory_space<hbm>>) target(%arg10 : memref<128x128xf32, #tpu.memory_space<vmem>>) offsets(%dma_start3A_81 : memref<128xi32, #tpu.memory_space<vmem>>) semaphore(%arg12 : memref<!tpu.dma_semaphore, #tpu.memory_space<semaphore_mem>>)
      } else {
      }
    }
    %scan3A_22 = arith.constant 20 : i32
    "tpu.region"() ({
      %run_scoped3A = tpu.sem_alloc : memref<!tpu.dma_semaphore, #tpu.memory_space<semaphore_mem>>
      %dma_start3A_48 = arith.constant 40 : i32
      %dma_start3A_49 = arith.constant 0 : i32
      %dma_start3A_50 = tpu.memref_slice %arg3[%add3A, %dma_start3A_48, %dma_start3A_49] : memref<32x80x128xi32, #tpu.memory_space<hbm>> -> memref<1x40x128xi32, #tpu.memory_space<hbm>>
      %dma_start3A_51 = tpu.memref_squeeze %dma_start3A_50 : memref<1x40x128xi32, #tpu.memory_space<hbm>> -> memref<40x128xi32, #tpu.memory_space<hbm>>
      %dma_start3A_52 = arith.constant 40 : i32
      %dma_start3A_53 = arith.constant 0 : i32
      %dma_start3A_54 = tpu.memref_slice %arg3[%add3A, %dma_start3A_52, %dma_start3A_53] : memref<32x80x128xi32, #tpu.memory_space<hbm>> -> memref<1x40x128xi32, #tpu.memory_space<hbm>>
      %dma_start3A_55 = tpu.memref_squeeze %dma_start3A_54 : memref<1x40x128xi32, #tpu.memory_space<hbm>> -> memref<40x128xi32, #tpu.memory_space<hbm>>
      tpu.enqueue_dma source(%dma_start3A_55 : memref<40x128xi32, #tpu.memory_space<hbm>>) target(%arg7 : memref<40x128xi32, #tpu.memory_space<vmem>>) target_semaphore(%run_scoped3A : memref<!tpu.dma_semaphore, #tpu.memory_space<semaphore_mem>>)
      %dma_wait3A = arith.constant 40 : i32
      %dma_wait3A_56 = arith.constant 0 : i32
      %dma_wait3A_57 = tpu.memref_slice %arg3[%add3A, %dma_wait3A, %dma_wait3A_56] : memref<32x80x128xi32, #tpu.memory_space<hbm>> -> memref<1x40x128xi32, #tpu.memory_space<hbm>>
      %dma_wait3A_58 = tpu.memref_squeeze %dma_wait3A_57 : memref<1x40x128xi32, #tpu.memory_space<hbm>> -> memref<40x128xi32, #tpu.memory_space<hbm>>
      %dma_wait3A_59 = arith.constant 40 : i32
      %dma_wait3A_60 = arith.constant 0 : i32
      %dma_wait3A_61 = tpu.memref_slice %arg3[%add3A, %dma_wait3A_59, %dma_wait3A_60] : memref<32x80x128xi32, #tpu.memory_space<hbm>> -> memref<1x40x128xi32, #tpu.memory_space<hbm>>
      %dma_wait3A_62 = tpu.memref_squeeze %dma_wait3A_61 : memref<1x40x128xi32, #tpu.memory_space<hbm>> -> memref<40x128xi32, #tpu.memory_space<hbm>>
      tpu.wait_dma2 semaphore(%run_scoped3A : memref<!tpu.dma_semaphore, #tpu.memory_space<semaphore_mem>>) src(%dma_wait3A_62 : memref<40x128xi32, #tpu.memory_space<hbm>>) dst(%arg7 : memref<40x128xi32, #tpu.memory_space<vmem>>)
      tpu.yield
    }) : () -> ()
    "tpu.region"() ({
      %run_scoped3A = tpu.sem_alloc : memref<!tpu.dma_semaphore, #tpu.memory_space<semaphore_mem>>
      %dma_start3A_48 = arith.constant 40 : i32
      %dma_start3A_49 = arith.constant 0 : i32
      %dma_start3A_50 = tpu.memref_slice %arg4[%add3A, %dma_start3A_48, %dma_start3A_49] : memref<32x80x128xi32, #tpu.memory_space<hbm>> -> memref<1x40x128xi32, #tpu.memory_space<hbm>>
      %dma_start3A_51 = tpu.memref_squeeze %dma_start3A_50 : memref<1x40x128xi32, #tpu.memory_space<hbm>> -> memref<40x128xi32, #tpu.memory_space<hbm>>
      %dma_start3A_52 = arith.constant 40 : i32
      %dma_start3A_53 = arith.constant 0 : i32
      %dma_start3A_54 = tpu.memref_slice %arg4[%add3A, %dma_start3A_52, %dma_start3A_53] : memref<32x80x128xi32, #tpu.memory_space<hbm>> -> memref<1x40x128xi32, #tpu.memory_space<hbm>>
      %dma_start3A_55 = tpu.memref_squeeze %dma_start3A_54 : memref<1x40x128xi32, #tpu.memory_space<hbm>> -> memref<40x128xi32, #tpu.memory_space<hbm>>
      tpu.enqueue_dma source(%dma_start3A_55 : memref<40x128xi32, #tpu.memory_space<hbm>>) target(%arg8 : memref<40x128xi32, #tpu.memory_space<vmem>>) target_semaphore(%run_scoped3A : memref<!tpu.dma_semaphore, #tpu.memory_space<semaphore_mem>>)
      %dma_wait3A = arith.constant 40 : i32
      %dma_wait3A_56 = arith.constant 0 : i32
      %dma_wait3A_57 = tpu.memref_slice %arg4[%add3A, %dma_wait3A, %dma_wait3A_56] : memref<32x80x128xi32, #tpu.memory_space<hbm>> -> memref<1x40x128xi32, #tpu.memory_space<hbm>>
      %dma_wait3A_58 = tpu.memref_squeeze %dma_wait3A_57 : memref<1x40x128xi32, #tpu.memory_space<hbm>> -> memref<40x128xi32, #tpu.memory_space<hbm>>
      %dma_wait3A_59 = arith.constant 40 : i32
      %dma_wait3A_60 = arith.constant 0 : i32
      %dma_wait3A_61 = tpu.memref_slice %arg4[%add3A, %dma_wait3A_59, %dma_wait3A_60] : memref<32x80x128xi32, #tpu.memory_space<hbm>> -> memref<1x40x128xi32, #tpu.memory_space<hbm>>
      %dma_wait3A_62 = tpu.memref_squeeze %dma_wait3A_61 : memref<1x40x128xi32, #tpu.memory_space<hbm>> -> memref<40x128xi32, #tpu.memory_space<hbm>>
      tpu.wait_dma2 semaphore(%run_scoped3A : memref<!tpu.dma_semaphore, #tpu.memory_space<semaphore_mem>>) src(%dma_wait3A_62 : memref<40x128xi32, #tpu.memory_space<hbm>>) dst(%arg8 : memref<40x128xi32, #tpu.memory_space<vmem>>)
      tpu.yield
    }) : () -> ()
    %dma_start3A_23 = arith.constant 0 : i32
    %dma_start3A_24 = arith.constant 0 : i32
    %dma_start3A_25 = tpu.memref_slice %arg7[%dma_start3A_23, %dma_start3A_24] : memref<40x128xi32, #tpu.memory_space<vmem>> -> memref<1x128xi32, #tpu.memory_space<vmem>>
    %dma_start3A_26 = tpu.memref_squeeze %dma_start3A_25 : memref<1x128xi32, #tpu.memory_space<vmem>> -> memref<128xi32, #tpu.memory_space<vmem>>
    %dma_start3A_27 = arith.constant 0 : i32
    %dma_start3A_28 = arith.constant 0 : i32
    %dma_start3A_29 = tpu.memref_slice %arg2[%dma_start3A_27, %dma_start3A_28] : memref<10000x128xf32, #tpu.memory_space<hbm>> -> memref<10000x128xf32, #tpu.memory_space<hbm>>
    tpu.enqueue_indirect_dma source(%dma_start3A_29 : memref<10000x128xf32, #tpu.memory_space<hbm>>) target(%arg9 : memref<128x128xf32, #tpu.memory_space<vmem>>) offsets(%dma_start3A_26 : memref<128xi32, #tpu.memory_space<vmem>>) semaphore(%arg11 : memref<!tpu.dma_semaphore, #tpu.memory_space<semaphore_mem>>)
    %dma_start3A_30 = arith.constant 1 : i32
    %dma_start3A_31 = arith.constant 0 : i32
    %dma_start3A_32 = tpu.memref_slice %arg7[%dma_start3A_30, %dma_start3A_31] : memref<40x128xi32, #tpu.memory_space<vmem>> -> memref<1x128xi32, #tpu.memory_space<vmem>>
    %dma_start3A_33 = tpu.memref_squeeze %dma_start3A_32 : memref<1x128xi32, #tpu.memory_space<vmem>> -> memref<128xi32, #tpu.memory_space<vmem>>
    %dma_start3A_34 = arith.constant 0 : i32
    %dma_start3A_35 = arith.constant 0 : i32
    %dma_start3A_36 = tpu.memref_slice %arg2[%dma_start3A_34, %dma_start3A_35] : memref<10000x128xf32, #tpu.memory_space<hbm>> -> memref<10000x128xf32, #tpu.memory_space<hbm>>
    tpu.enqueue_indirect_dma source(%dma_start3A_36 : memref<10000x128xf32, #tpu.memory_space<hbm>>) target(%arg10 : memref<128x128xf32, #tpu.memory_space<vmem>>) offsets(%dma_start3A_33 : memref<128xi32, #tpu.memory_space<vmem>>) semaphore(%arg12 : memref<!tpu.dma_semaphore, #tpu.memory_space<semaphore_mem>>)
    %scan3A_37 = arith.constant 0 : i32
    %scan3A_38 = arith.constant 0 : i32
    %scan3A_39 = arith.constant 20 : i32
    %scan3A_40 = arith.addi %scan3A_38, %scan3A_39 : i32
    %scan3A_41 = arith.constant 1 : i32
    scf.for %scan3A_48 = %scan3A_38 to %scan3A_40 step %scan3A_41  : i32 {
      %mul3A_49 = arith.constant 2 : i32
      %mul3A_50 = arith.muli %scan3A_48, %mul3A_49 : i32
      %add3A_51 = arith.constant 0 : i32
      %add3A_52 = arith.addi %mul3A_50, %add3A_51 : i32
      %dma_wait3A = arith.constant 0 : i32
      %dma_wait3A_53 = tpu.memref_slice %arg7[%add3A_52, %dma_wait3A] : memref<40x128xi32, #tpu.memory_space<vmem>> -> memref<1x128xi32, #tpu.memory_space<vmem>>
      %dma_wait3A_54 = tpu.memref_squeeze %dma_wait3A_53 : memref<1x128xi32, #tpu.memory_space<vmem>> -> memref<128xi32, #tpu.memory_space<vmem>>
      %dma_wait3A_55 = arith.constant 0 : i32
      %dma_wait3A_56 = arith.constant 0 : i32
      %dma_wait3A_57 = tpu.memref_slice %arg2[%dma_wait3A_55, %dma_wait3A_56] : memref<10000x128xf32, #tpu.memory_space<hbm>> -> memref<10000x128xf32, #tpu.memory_space<hbm>>
      tpu.wait_indirect_dma semaphore(%arg11 : memref<!tpu.dma_semaphore, #tpu.memory_space<semaphore_mem>>) src(%dma_wait3A_57 : memref<10000x128xf32, #tpu.memory_space<hbm>>) dst(%arg9 : memref<128x128xf32, #tpu.memory_space<vmem>>)
      "tpu.region"() ({
        %run_scoped3A = tpu.sem_alloc : memref<!tpu.dma_semaphore, #tpu.memory_space<semaphore_mem>>
        %dma_start3A_77 = arith.constant 0 : i32
        %dma_start3A_78 = tpu.memref_slice %arg8[%add3A_52, %dma_start3A_77] : memref<40x128xi32, #tpu.memory_space<vmem>> -> memref<1x128xi32, #tpu.memory_space<vmem>>
        %dma_start3A_79 = tpu.memref_squeeze %dma_start3A_78 : memref<1x128xi32, #tpu.memory_space<vmem>> -> memref<128xi32, #tpu.memory_space<vmem>>
        %dma_start3A_80 = arith.constant 0 : i32
        %dma_start3A_81 = arith.constant 0 : i32
        %dma_start3A_82 = tpu.memref_slice %arg13[%dma_start3A_80, %dma_start3A_81] : memref<10112x128xf32, #tpu.memory_space<vmem_shared>> -> memref<10112x128xf32, #tpu.memory_space<vmem_shared>>
        tpu.enqueue_indirect_dma source(%arg9 : memref<128x128xf32, #tpu.memory_space<vmem>>) target(%dma_start3A_82 : memref<10112x128xf32, #tpu.memory_space<vmem_shared>>) offsets(%dma_start3A_79 : memref<128xi32, #tpu.memory_space<vmem>>) semaphore(%run_scoped3A : memref<!tpu.dma_semaphore, #tpu.memory_space<semaphore_mem>>) {add = true}
        %dma_wait3A_83 = arith.constant 0 : i32
        %dma_wait3A_84 = tpu.memref_slice %arg8[%add3A_52, %dma_wait3A_83] : memref<40x128xi32, #tpu.memory_space<vmem>> -> memref<1x128xi32, #tpu.memory_space<vmem>>
        %dma_wait3A_85 = tpu.memref_squeeze %dma_wait3A_84 : memref<1x128xi32, #tpu.memory_space<vmem>> -> memref<128xi32, #tpu.memory_space<vmem>>
        %dma_wait3A_86 = arith.constant 0 : i32
        %dma_wait3A_87 = arith.constant 0 : i32
        %dma_wait3A_88 = tpu.memref_slice %arg13[%dma_wait3A_86, %dma_wait3A_87] : memref<10112x128xf32, #tpu.memory_space<vmem_shared>> -> memref<10112x128xf32, #tpu.memory_space<vmem_shared>>
        tpu.wait_indirect_dma semaphore(%run_scoped3A : memref<!tpu.dma_semaphore, #tpu.memory_space<semaphore_mem>>) src(%arg9 : memref<128x128xf32, #tpu.memory_space<vmem>>) dst(%dma_wait3A_88 : memref<10112x128xf32, #tpu.memory_space<vmem_shared>>)
        tpu.yield
      }) : () -> ()
      %add3A_58 = arith.constant 2 : i32
      %add3A_59 = arith.addi %add3A_52, %add3A_58 : i32
      %lt3A = arith.constant 40 : i32
      %lt3A_60 = arith.cmpi slt, %add3A_59, %lt3A : i32
      %convert_element_type3A = arith.extui %lt3A_60 : i1 to i32
      %cond3A = arith.constant 0 : i32
      %cond3A_61 = arith.cmpi ne, %convert_element_type3A, %cond3A : i32
      scf.if %cond3A_61 {
        %add3A_77 = arith.constant 2 : i32
        %add3A_78 = arith.addi %add3A_52, %add3A_77 : i32
        %dma_start3A_79 = arith.constant 0 : i32
        %dma_start3A_80 = tpu.memref_slice %arg7[%add3A_78, %dma_start3A_79] : memref<40x128xi32, #tpu.memory_space<vmem>> -> memref<1x128xi32, #tpu.memory_space<vmem>>
        %dma_start3A_81 = tpu.memref_squeeze %dma_start3A_80 : memref<1x128xi32, #tpu.memory_space<vmem>> -> memref<128xi32, #tpu.memory_space<vmem>>
        %dma_start3A_82 = arith.constant 0 : i32
        %dma_start3A_83 = arith.constant 0 : i32
        %dma_start3A_84 = tpu.memref_slice %arg2[%dma_start3A_82, %dma_start3A_83] : memref<10000x128xf32, #tpu.memory_space<hbm>> -> memref<10000x128xf32, #tpu.memory_space<hbm>>
        tpu.enqueue_indirect_dma source(%dma_start3A_84 : memref<10000x128xf32, #tpu.memory_space<hbm>>) target(%arg9 : memref<128x128xf32, #tpu.memory_space<vmem>>) offsets(%dma_start3A_81 : memref<128xi32, #tpu.memory_space<vmem>>) semaphore(%arg11 : memref<!tpu.dma_semaphore, #tpu.memory_space<semaphore_mem>>)
      } else {
      }
      %add3A_62 = arith.constant 1 : i32
      %add3A_63 = arith.addi %mul3A_50, %add3A_62 : i32
      %dma_wait3A_64 = arith.constant 0 : i32
      %dma_wait3A_65 = tpu.memref_slice %arg7[%add3A_63, %dma_wait3A_64] : memref<40x128xi32, #tpu.memory_space<vmem>> -> memref<1x128xi32, #tpu.memory_space<vmem>>
      %dma_wait3A_66 = tpu.memref_squeeze %dma_wait3A_65 : memref<1x128xi32, #tpu.memory_space<vmem>> -> memref<128xi32, #tpu.memory_space<vmem>>
      %dma_wait3A_67 = arith.constant 0 : i32
      %dma_wait3A_68 = arith.constant 0 : i32
      %dma_wait3A_69 = tpu.memref_slice %arg2[%dma_wait3A_67, %dma_wait3A_68] : memref<10000x128xf32, #tpu.memory_space<hbm>> -> memref<10000x128xf32, #tpu.memory_space<hbm>>
      tpu.wait_indirect_dma semaphore(%arg12 : memref<!tpu.dma_semaphore, #tpu.memory_space<semaphore_mem>>) src(%dma_wait3A_69 : memref<10000x128xf32, #tpu.memory_space<hbm>>) dst(%arg10 : memref<128x128xf32, #tpu.memory_space<vmem>>)
      "tpu.region"() ({
        %run_scoped3A = tpu.sem_alloc : memref<!tpu.dma_semaphore, #tpu.memory_space<semaphore_mem>>
        %dma_start3A_77 = arith.constant 0 : i32
        %dma_start3A_78 = tpu.memref_slice %arg8[%add3A_63, %dma_start3A_77] : memref<40x128xi32, #tpu.memory_space<vmem>> -> memref<1x128xi32, #tpu.memory_space<vmem>>
        %dma_start3A_79 = tpu.memref_squeeze %dma_start3A_78 : memref<1x128xi32, #tpu.memory_space<vmem>> -> memref<128xi32, #tpu.memory_space<vmem>>
        %dma_start3A_80 = arith.constant 0 : i32
        %dma_start3A_81 = arith.constant 0 : i32
        %dma_start3A_82 = tpu.memref_slice %arg13[%dma_start3A_80, %dma_start3A_81] : memref<10112x128xf32, #tpu.memory_space<vmem_shared>> -> memref<10112x128xf32, #tpu.memory_space<vmem_shared>>
        tpu.enqueue_indirect_dma source(%arg10 : memref<128x128xf32, #tpu.memory_space<vmem>>) target(%dma_start3A_82 : memref<10112x128xf32, #tpu.memory_space<vmem_shared>>) offsets(%dma_start3A_79 : memref<128xi32, #tpu.memory_space<vmem>>) semaphore(%run_scoped3A : memref<!tpu.dma_semaphore, #tpu.memory_space<semaphore_mem>>) {add = true}
        %dma_wait3A_83 = arith.constant 0 : i32
        %dma_wait3A_84 = tpu.memref_slice %arg8[%add3A_63, %dma_wait3A_83] : memref<40x128xi32, #tpu.memory_space<vmem>> -> memref<1x128xi32, #tpu.memory_space<vmem>>
        %dma_wait3A_85 = tpu.memref_squeeze %dma_wait3A_84 : memref<1x128xi32, #tpu.memory_space<vmem>> -> memref<128xi32, #tpu.memory_space<vmem>>
        %dma_wait3A_86 = arith.constant 0 : i32
        %dma_wait3A_87 = arith.constant 0 : i32
        %dma_wait3A_88 = tpu.memref_slice %arg13[%dma_wait3A_86, %dma_wait3A_87] : memref<10112x128xf32, #tpu.memory_space<vmem_shared>> -> memref<10112x128xf32, #tpu.memory_space<vmem_shared>>
        tpu.wait_indirect_dma semaphore(%run_scoped3A : memref<!tpu.dma_semaphore, #tpu.memory_space<semaphore_mem>>) src(%arg10 : memref<128x128xf32, #tpu.memory_space<vmem>>) dst(%dma_wait3A_88 : memref<10112x128xf32, #tpu.memory_space<vmem_shared>>)
        tpu.yield
      }) : () -> ()
      %add3A_70 = arith.constant 2 : i32
      %add3A_71 = arith.addi %add3A_63, %add3A_70 : i32
      %lt3A_72 = arith.constant 40 : i32
      %lt3A_73 = arith.cmpi slt, %add3A_71, %lt3A_72 : i32
      %convert_element_type3A_74 = arith.extui %lt3A_73 : i1 to i32
      %cond3A_75 = arith.constant 0 : i32
      %cond3A_76 = arith.cmpi ne, %convert_element_type3A_74, %cond3A_75 : i32
      scf.if %cond3A_76 {
        %add3A_77 = arith.constant 2 : i32
        %add3A_78 = arith.addi %add3A_63, %add3A_77 : i32
        %dma_start3A_79 = arith.constant 0 : i32
        %dma_start3A_80 = tpu.memref_slice %arg7[%add3A_78, %dma_start3A_79] : memref<40x128xi32, #tpu.memory_space<vmem>> -> memref<1x128xi32, #tpu.memory_space<vmem>>
        %dma_start3A_81 = tpu.memref_squeeze %dma_start3A_80 : memref<1x128xi32, #tpu.memory_space<vmem>> -> memref<128xi32, #tpu.memory_space<vmem>>
        %dma_start3A_82 = arith.constant 0 : i32
        %dma_start3A_83 = arith.constant 0 : i32
        %dma_start3A_84 = tpu.memref_slice %arg2[%dma_start3A_82, %dma_start3A_83] : memref<10000x128xf32, #tpu.memory_space<hbm>> -> memref<10000x128xf32, #tpu.memory_space<hbm>>
        tpu.enqueue_indirect_dma source(%dma_start3A_84 : memref<10000x128xf32, #tpu.memory_space<hbm>>) target(%arg10 : memref<128x128xf32, #tpu.memory_space<vmem>>) offsets(%dma_start3A_81 : memref<128xi32, #tpu.memory_space<vmem>>) semaphore(%arg12 : memref<!tpu.dma_semaphore, #tpu.memory_space<semaphore_mem>>)
      } else {
      }
    }
    %scan3A_42 = arith.constant 20 : i32
    %barrier3A_43 = arith.constant 0 : index
    tpu.barrier barrier_id(%barrier3A_43)
    %mul3A_44 = arith.constant 632 : i32
    %mul3A_45 = arith.muli %arg1, %mul3A_44 : i32
    %mul3A_46 = arith.constant 632 : i32
    %mul3A_47 = arith.muli %arg1, %mul3A_46 : i32
    "tpu.region"() ({
      %run_scoped3A = tpu.sem_alloc : memref<!tpu.dma_semaphore, #tpu.memory_space<semaphore_mem>>
      %dma_start3A_48 = arith.constant 0 : i32
      %dma_start3A_49 = tpu.memref_slice %arg6[%arg0, %mul3A_47, %dma_start3A_48] : memref<2x10112x128xf32, #tpu.memory_space<hbm>> -> memref<1x632x128xf32, #tpu.memory_space<hbm>>
      %dma_start3A_50 = tpu.memref_squeeze %dma_start3A_49 : memref<1x632x128xf32, #tpu.memory_space<hbm>> -> memref<632x128xf32, #tpu.memory_space<hbm>>
      %dma_start3A_51 = arith.constant 0 : i32
      %dma_start3A_52 = tpu.memref_slice %arg13[%mul3A_45, %dma_start3A_51] : memref<10112x128xf32, #tpu.memory_space<vmem_shared>> -> memref<632x128xf32, #tpu.memory_space<vmem_shared>>
      tpu.enqueue_dma source(%dma_start3A_52 : memref<632x128xf32, #tpu.memory_space<vmem_shared>>) target(%dma_start3A_50 : memref<632x128xf32, #tpu.memory_space<hbm>>) target_semaphore(%run_scoped3A : memref<!tpu.dma_semaphore, #tpu.memory_space<semaphore_mem>>)
      %dma_wait3A = arith.constant 0 : i32
      %dma_wait3A_53 = tpu.memref_slice %arg6[%arg0, %mul3A_47, %dma_wait3A] : memref<2x10112x128xf32, #tpu.memory_space<hbm>> -> memref<1x632x128xf32, #tpu.memory_space<hbm>>
      %dma_wait3A_54 = tpu.memref_squeeze %dma_wait3A_53 : memref<1x632x128xf32, #tpu.memory_space<hbm>> -> memref<632x128xf32, #tpu.memory_space<hbm>>
      %dma_wait3A_55 = arith.constant 0 : i32
      %dma_wait3A_56 = tpu.memref_slice %arg13[%mul3A_45, %dma_wait3A_55] : memref<10112x128xf32, #tpu.memory_space<vmem_shared>> -> memref<632x128xf32, #tpu.memory_space<vmem_shared>>
      tpu.wait_dma2 semaphore(%run_scoped3A : memref<!tpu.dma_semaphore, #tpu.memory_space<semaphore_mem>>) src(%dma_wait3A_56 : memref<632x128xf32, #tpu.memory_space<vmem_shared>>) dst(%dma_wait3A_54 : memref<632x128xf32, #tpu.memory_space<hbm>>)
      tpu.yield
    }) : () -> ()
    return
  }
}

#map = affine_map<(d0, d1) -> (0, 0)>
#map1 = affine_map<(d0, d1) -> (0, 0, 0)>
module attributes {stable_mosaic.version = 14 : i64} {
  func.func @_sc_agg_body(%arg0: i32, %arg1: i32, %arg2: memref<10000x128xf32, #tpu.memory_space<hbm>>, %arg3: memref<32x80x128xi32, #tpu.memory_space<hbm>>, %arg4: memref<32x80x128xi32, #tpu.memory_space<hbm>>, %arg5: memref<10112x128xf32, #tpu.memory_space<hbm>>, %arg6: memref<2x10112x128xf32, #tpu.memory_space<hbm>>, %arg7: memref<40x128xi32, #tpu.memory_space<vmem>>, %arg8: memref<40x128xi32, #tpu.memory_space<vmem>>, %arg9: memref<128x128xf32, #tpu.memory_space<vmem>>, %arg10: memref<128x128xf32, #tpu.memory_space<vmem>>, %arg11: memref<!tpu.dma_semaphore, #tpu.memory_space<semaphore_mem>>, %arg12: memref<!tpu.dma_semaphore, #tpu.memory_space<semaphore_mem>>, %arg13: memref<10112x128xf32, #tpu.memory_space<vmem_shared>>) attributes {dimension_semantics = [#tpu.dimension_semantics<core_parallel>, #tpu.dimension_semantics<subcore_parallel>], iteration_bounds = array<i64: 2, 16>, scalar_prefetch = 0 : i64, scratch_operands = 7 : i64, tpu.core_type = #tpu.core_type<sc_vector_subcore>, window_params = [{transform_indices = #map}, {transform_indices = #map1}, {transform_indices = #map1}, {transform_indices = #map}, {transform_indices = #map1}]} {
    %mul3A = arith.constant 16 : i32
    %mul3A_0 = arith.muli %arg0, %mul3A : i32
    %add3A = arith.addi %mul3A_0, %arg1 : i32
    %mul3A_1 = arith.constant 632 : i32
    %mul3A_2 = arith.muli %arg1, %mul3A_1 : i32
    %mul3A_3 = arith.constant 632 : i32
    %mul3A_4 = arith.muli %arg1, %mul3A_3 : i32
    "tpu.region"() ({
      %run_scoped3A = tpu.sem_alloc : memref<!tpu.dma_semaphore, #tpu.memory_space<semaphore_mem>>
      %dma_start3A_48 = arith.constant 0 : i32
      %dma_start3A_49 = tpu.memref_slice %arg13[%mul3A_4, %dma_start3A_48] : memref<10112x128xf32, #tpu.memory_space<vmem_shared>> -> memref<632x128xf32, #tpu.memory_space<vmem_shared>>
      %dma_start3A_50 = arith.constant 0 : i32
      %dma_start3A_51 = tpu.memref_slice %arg5[%mul3A_2, %dma_start3A_50] : memref<10112x128xf32, #tpu.memory_space<hbm>> -> memref<632x128xf32, #tpu.memory_space<hbm>>
      tpu.enqueue_dma source(%dma_start3A_51 : memref<632x128xf32, #tpu.memory_space<hbm>>) target(%dma_start3A_49 : memref<632x128xf32, #tpu.memory_space<vmem_shared>>) target_semaphore(%run_scoped3A : memref<!tpu.dma_semaphore, #tpu.memory_space<semaphore_mem>>)
      %dma_wait3A = arith.constant 0 : i32
      %dma_wait3A_52 = tpu.memref_slice %arg13[%mul3A_4, %dma_wait3A] : memref<10112x128xf32, #tpu.memory_space<vmem_shared>> -> memref<632x128xf32, #tpu.memory_space<vmem_shared>>
      %dma_wait3A_53 = arith.constant 0 : i32
      %dma_wait3A_54 = tpu.memref_slice %arg5[%mul3A_2, %dma_wait3A_53] : memref<10112x128xf32, #tpu.memory_space<hbm>> -> memref<632x128xf32, #tpu.memory_space<hbm>>
      tpu.wait_dma2 semaphore(%run_scoped3A : memref<!tpu.dma_semaphore, #tpu.memory_space<semaphore_mem>>) src(%dma_wait3A_54 : memref<632x128xf32, #tpu.memory_space<hbm>>) dst(%dma_wait3A_52 : memref<632x128xf32, #tpu.memory_space<vmem_shared>>)
      tpu.yield
    }) : () -> ()
    %barrier3A = arith.constant 0 : index
    tpu.barrier barrier_id(%barrier3A)
    "tpu.region"() ({
      %run_scoped3A = tpu.sem_alloc : memref<!tpu.dma_semaphore, #tpu.memory_space<semaphore_mem>>
      %dma_start3A_48 = arith.constant 0 : i32
      %dma_start3A_49 = arith.constant 0 : i32
      %dma_start3A_50 = tpu.memref_slice %arg3[%add3A, %dma_start3A_48, %dma_start3A_49] : memref<32x80x128xi32, #tpu.memory_space<hbm>> -> memref<1x40x128xi32, #tpu.memory_space<hbm>>
      %dma_start3A_51 = tpu.memref_squeeze %dma_start3A_50 : memref<1x40x128xi32, #tpu.memory_space<hbm>> -> memref<40x128xi32, #tpu.memory_space<hbm>>
      %dma_start3A_52 = arith.constant 0 : i32
      %dma_start3A_53 = arith.constant 0 : i32
      %dma_start3A_54 = tpu.memref_slice %arg3[%add3A, %dma_start3A_52, %dma_start3A_53] : memref<32x80x128xi32, #tpu.memory_space<hbm>> -> memref<1x40x128xi32, #tpu.memory_space<hbm>>
      %dma_start3A_55 = tpu.memref_squeeze %dma_start3A_54 : memref<1x40x128xi32, #tpu.memory_space<hbm>> -> memref<40x128xi32, #tpu.memory_space<hbm>>
      tpu.enqueue_dma source(%dma_start3A_55 : memref<40x128xi32, #tpu.memory_space<hbm>>) target(%arg7 : memref<40x128xi32, #tpu.memory_space<vmem>>) target_semaphore(%run_scoped3A : memref<!tpu.dma_semaphore, #tpu.memory_space<semaphore_mem>>)
      %dma_wait3A = arith.constant 0 : i32
      %dma_wait3A_56 = arith.constant 0 : i32
      %dma_wait3A_57 = tpu.memref_slice %arg3[%add3A, %dma_wait3A, %dma_wait3A_56] : memref<32x80x128xi32, #tpu.memory_space<hbm>> -> memref<1x40x128xi32, #tpu.memory_space<hbm>>
      %dma_wait3A_58 = tpu.memref_squeeze %dma_wait3A_57 : memref<1x40x128xi32, #tpu.memory_space<hbm>> -> memref<40x128xi32, #tpu.memory_space<hbm>>
      %dma_wait3A_59 = arith.constant 0 : i32
      %dma_wait3A_60 = arith.constant 0 : i32
      %dma_wait3A_61 = tpu.memref_slice %arg3[%add3A, %dma_wait3A_59, %dma_wait3A_60] : memref<32x80x128xi32, #tpu.memory_space<hbm>> -> memref<1x40x128xi32, #tpu.memory_space<hbm>>
      %dma_wait3A_62 = tpu.memref_squeeze %dma_wait3A_61 : memref<1x40x128xi32, #tpu.memory_space<hbm>> -> memref<40x128xi32, #tpu.memory_space<hbm>>
      tpu.wait_dma2 semaphore(%run_scoped3A : memref<!tpu.dma_semaphore, #tpu.memory_space<semaphore_mem>>) src(%dma_wait3A_62 : memref<40x128xi32, #tpu.memory_space<hbm>>) dst(%arg7 : memref<40x128xi32, #tpu.memory_space<vmem>>)
      tpu.yield
    }) : () -> ()
    "tpu.region"() ({
      %run_scoped3A = tpu.sem_alloc : memref<!tpu.dma_semaphore, #tpu.memory_space<semaphore_mem>>
      %dma_start3A_48 = arith.constant 0 : i32
      %dma_start3A_49 = arith.constant 0 : i32
      %dma_start3A_50 = tpu.memref_slice %arg4[%add3A, %dma_start3A_48, %dma_start3A_49] : memref<32x80x128xi32, #tpu.memory_space<hbm>> -> memref<1x40x128xi32, #tpu.memory_space<hbm>>
      %dma_start3A_51 = tpu.memref_squeeze %dma_start3A_50 : memref<1x40x128xi32, #tpu.memory_space<hbm>> -> memref<40x128xi32, #tpu.memory_space<hbm>>
      %dma_start3A_52 = arith.constant 0 : i32
      %dma_start3A_53 = arith.constant 0 : i32
      %dma_start3A_54 = tpu.memref_slice %arg4[%add3A, %dma_start3A_52, %dma_start3A_53] : memref<32x80x128xi32, #tpu.memory_space<hbm>> -> memref<1x40x128xi32, #tpu.memory_space<hbm>>
      %dma_start3A_55 = tpu.memref_squeeze %dma_start3A_54 : memref<1x40x128xi32, #tpu.memory_space<hbm>> -> memref<40x128xi32, #tpu.memory_space<hbm>>
      tpu.enqueue_dma source(%dma_start3A_55 : memref<40x128xi32, #tpu.memory_space<hbm>>) target(%arg8 : memref<40x128xi32, #tpu.memory_space<vmem>>) target_semaphore(%run_scoped3A : memref<!tpu.dma_semaphore, #tpu.memory_space<semaphore_mem>>)
      %dma_wait3A = arith.constant 0 : i32
      %dma_wait3A_56 = arith.constant 0 : i32
      %dma_wait3A_57 = tpu.memref_slice %arg4[%add3A, %dma_wait3A, %dma_wait3A_56] : memref<32x80x128xi32, #tpu.memory_space<hbm>> -> memref<1x40x128xi32, #tpu.memory_space<hbm>>
      %dma_wait3A_58 = tpu.memref_squeeze %dma_wait3A_57 : memref<1x40x128xi32, #tpu.memory_space<hbm>> -> memref<40x128xi32, #tpu.memory_space<hbm>>
      %dma_wait3A_59 = arith.constant 0 : i32
      %dma_wait3A_60 = arith.constant 0 : i32
      %dma_wait3A_61 = tpu.memref_slice %arg4[%add3A, %dma_wait3A_59, %dma_wait3A_60] : memref<32x80x128xi32, #tpu.memory_space<hbm>> -> memref<1x40x128xi32, #tpu.memory_space<hbm>>
      %dma_wait3A_62 = tpu.memref_squeeze %dma_wait3A_61 : memref<1x40x128xi32, #tpu.memory_space<hbm>> -> memref<40x128xi32, #tpu.memory_space<hbm>>
      tpu.wait_dma2 semaphore(%run_scoped3A : memref<!tpu.dma_semaphore, #tpu.memory_space<semaphore_mem>>) src(%dma_wait3A_62 : memref<40x128xi32, #tpu.memory_space<hbm>>) dst(%arg8 : memref<40x128xi32, #tpu.memory_space<vmem>>)
      tpu.yield
    }) : () -> ()
    %dma_start3A = arith.constant 0 : i32
    %dma_start3A_5 = arith.constant 0 : i32
    %dma_start3A_6 = tpu.memref_slice %arg7[%dma_start3A, %dma_start3A_5] : memref<40x128xi32, #tpu.memory_space<vmem>> -> memref<1x128xi32, #tpu.memory_space<vmem>>
    %dma_start3A_7 = tpu.memref_squeeze %dma_start3A_6 : memref<1x128xi32, #tpu.memory_space<vmem>> -> memref<128xi32, #tpu.memory_space<vmem>>
    %dma_start3A_8 = arith.constant 0 : i32
    %dma_start3A_9 = arith.constant 0 : i32
    %dma_start3A_10 = tpu.memref_slice %arg2[%dma_start3A_8, %dma_start3A_9] : memref<10000x128xf32, #tpu.memory_space<hbm>> -> memref<10000x128xf32, #tpu.memory_space<hbm>>
    tpu.enqueue_indirect_dma source(%dma_start3A_10 : memref<10000x128xf32, #tpu.memory_space<hbm>>) target(%arg9 : memref<128x128xf32, #tpu.memory_space<vmem>>) offsets(%dma_start3A_7 : memref<128xi32, #tpu.memory_space<vmem>>) semaphore(%arg11 : memref<!tpu.dma_semaphore, #tpu.memory_space<semaphore_mem>>)
    %dma_start3A_11 = arith.constant 1 : i32
    %dma_start3A_12 = arith.constant 0 : i32
    %dma_start3A_13 = tpu.memref_slice %arg7[%dma_start3A_11, %dma_start3A_12] : memref<40x128xi32, #tpu.memory_space<vmem>> -> memref<1x128xi32, #tpu.memory_space<vmem>>
    %dma_start3A_14 = tpu.memref_squeeze %dma_start3A_13 : memref<1x128xi32, #tpu.memory_space<vmem>> -> memref<128xi32, #tpu.memory_space<vmem>>
    %dma_start3A_15 = arith.constant 0 : i32
    %dma_start3A_16 = arith.constant 0 : i32
    %dma_start3A_17 = tpu.memref_slice %arg2[%dma_start3A_15, %dma_start3A_16] : memref<10000x128xf32, #tpu.memory_space<hbm>> -> memref<10000x128xf32, #tpu.memory_space<hbm>>
    tpu.enqueue_indirect_dma source(%dma_start3A_17 : memref<10000x128xf32, #tpu.memory_space<hbm>>) target(%arg10 : memref<128x128xf32, #tpu.memory_space<vmem>>) offsets(%dma_start3A_14 : memref<128xi32, #tpu.memory_space<vmem>>) semaphore(%arg12 : memref<!tpu.dma_semaphore, #tpu.memory_space<semaphore_mem>>)
    %scan3A = arith.constant 0 : i32
    %scan3A_18 = arith.constant 0 : i32
    %scan3A_19 = arith.constant 20 : i32
    %scan3A_20 = arith.addi %scan3A_18, %scan3A_19 : i32
    %scan3A_21 = arith.constant 1 : i32
    scf.for %scan3A_48 = %scan3A_18 to %scan3A_20 step %scan3A_21  : i32 {
      %mul3A_49 = arith.constant 2 : i32
      %mul3A_50 = arith.muli %scan3A_48, %mul3A_49 : i32
      %add3A_51 = arith.constant 0 : i32
      %add3A_52 = arith.addi %mul3A_50, %add3A_51 : i32
      %dma_wait3A = arith.constant 0 : i32
      %dma_wait3A_53 = tpu.memref_slice %arg7[%add3A_52, %dma_wait3A] : memref<40x128xi32, #tpu.memory_space<vmem>> -> memref<1x128xi32, #tpu.memory_space<vmem>>
      %dma_wait3A_54 = tpu.memref_squeeze %dma_wait3A_53 : memref<1x128xi32, #tpu.memory_space<vmem>> -> memref<128xi32, #tpu.memory_space<vmem>>
      %dma_wait3A_55 = arith.constant 0 : i32
      %dma_wait3A_56 = arith.constant 0 : i32
      %dma_wait3A_57 = tpu.memref_slice %arg2[%dma_wait3A_55, %dma_wait3A_56] : memref<10000x128xf32, #tpu.memory_space<hbm>> -> memref<10000x128xf32, #tpu.memory_space<hbm>>
      tpu.wait_indirect_dma semaphore(%arg11 : memref<!tpu.dma_semaphore, #tpu.memory_space<semaphore_mem>>) src(%dma_wait3A_57 : memref<10000x128xf32, #tpu.memory_space<hbm>>) dst(%arg9 : memref<128x128xf32, #tpu.memory_space<vmem>>)
      "tpu.region"() ({
        %run_scoped3A = tpu.sem_alloc : memref<!tpu.dma_semaphore, #tpu.memory_space<semaphore_mem>>
        %dma_start3A_77 = arith.constant 0 : i32
        %dma_start3A_78 = tpu.memref_slice %arg8[%add3A_52, %dma_start3A_77] : memref<40x128xi32, #tpu.memory_space<vmem>> -> memref<1x128xi32, #tpu.memory_space<vmem>>
        %dma_start3A_79 = tpu.memref_squeeze %dma_start3A_78 : memref<1x128xi32, #tpu.memory_space<vmem>> -> memref<128xi32, #tpu.memory_space<vmem>>
        %dma_start3A_80 = arith.constant 0 : i32
        %dma_start3A_81 = arith.constant 0 : i32
        %dma_start3A_82 = tpu.memref_slice %arg13[%dma_start3A_80, %dma_start3A_81] : memref<10112x128xf32, #tpu.memory_space<vmem_shared>> -> memref<10112x128xf32, #tpu.memory_space<vmem_shared>>
        tpu.enqueue_indirect_dma source(%arg9 : memref<128x128xf32, #tpu.memory_space<vmem>>) target(%dma_start3A_82 : memref<10112x128xf32, #tpu.memory_space<vmem_shared>>) offsets(%dma_start3A_79 : memref<128xi32, #tpu.memory_space<vmem>>) semaphore(%run_scoped3A : memref<!tpu.dma_semaphore, #tpu.memory_space<semaphore_mem>>) {add = true}
        %dma_wait3A_83 = arith.constant 0 : i32
        %dma_wait3A_84 = tpu.memref_slice %arg8[%add3A_52, %dma_wait3A_83] : memref<40x128xi32, #tpu.memory_space<vmem>> -> memref<1x128xi32, #tpu.memory_space<vmem>>
        %dma_wait3A_85 = tpu.memref_squeeze %dma_wait3A_84 : memref<1x128xi32, #tpu.memory_space<vmem>> -> memref<128xi32, #tpu.memory_space<vmem>>
        %dma_wait3A_86 = arith.constant 0 : i32
        %dma_wait3A_87 = arith.constant 0 : i32
        %dma_wait3A_88 = tpu.memref_slice %arg13[%dma_wait3A_86, %dma_wait3A_87] : memref<10112x128xf32, #tpu.memory_space<vmem_shared>> -> memref<10112x128xf32, #tpu.memory_space<vmem_shared>>
        tpu.wait_indirect_dma semaphore(%run_scoped3A : memref<!tpu.dma_semaphore, #tpu.memory_space<semaphore_mem>>) src(%arg9 : memref<128x128xf32, #tpu.memory_space<vmem>>) dst(%dma_wait3A_88 : memref<10112x128xf32, #tpu.memory_space<vmem_shared>>)
        tpu.yield
      }) : () -> ()
      %add3A_58 = arith.constant 2 : i32
      %add3A_59 = arith.addi %add3A_52, %add3A_58 : i32
      %lt3A = arith.constant 40 : i32
      %lt3A_60 = arith.cmpi slt, %add3A_59, %lt3A : i32
      %convert_element_type3A = arith.extui %lt3A_60 : i1 to i32
      %cond3A = arith.constant 0 : i32
      %cond3A_61 = arith.cmpi ne, %convert_element_type3A, %cond3A : i32
      scf.if %cond3A_61 {
        %add3A_77 = arith.constant 2 : i32
        %add3A_78 = arith.addi %add3A_52, %add3A_77 : i32
        %dma_start3A_79 = arith.constant 0 : i32
        %dma_start3A_80 = tpu.memref_slice %arg7[%add3A_78, %dma_start3A_79] : memref<40x128xi32, #tpu.memory_space<vmem>> -> memref<1x128xi32, #tpu.memory_space<vmem>>
        %dma_start3A_81 = tpu.memref_squeeze %dma_start3A_80 : memref<1x128xi32, #tpu.memory_space<vmem>> -> memref<128xi32, #tpu.memory_space<vmem>>
        %dma_start3A_82 = arith.constant 0 : i32
        %dma_start3A_83 = arith.constant 0 : i32
        %dma_start3A_84 = tpu.memref_slice %arg2[%dma_start3A_82, %dma_start3A_83] : memref<10000x128xf32, #tpu.memory_space<hbm>> -> memref<10000x128xf32, #tpu.memory_space<hbm>>
        tpu.enqueue_indirect_dma source(%dma_start3A_84 : memref<10000x128xf32, #tpu.memory_space<hbm>>) target(%arg9 : memref<128x128xf32, #tpu.memory_space<vmem>>) offsets(%dma_start3A_81 : memref<128xi32, #tpu.memory_space<vmem>>) semaphore(%arg11 : memref<!tpu.dma_semaphore, #tpu.memory_space<semaphore_mem>>)
      } else {
      }
      %add3A_62 = arith.constant 1 : i32
      %add3A_63 = arith.addi %mul3A_50, %add3A_62 : i32
      %dma_wait3A_64 = arith.constant 0 : i32
      %dma_wait3A_65 = tpu.memref_slice %arg7[%add3A_63, %dma_wait3A_64] : memref<40x128xi32, #tpu.memory_space<vmem>> -> memref<1x128xi32, #tpu.memory_space<vmem>>
      %dma_wait3A_66 = tpu.memref_squeeze %dma_wait3A_65 : memref<1x128xi32, #tpu.memory_space<vmem>> -> memref<128xi32, #tpu.memory_space<vmem>>
      %dma_wait3A_67 = arith.constant 0 : i32
      %dma_wait3A_68 = arith.constant 0 : i32
      %dma_wait3A_69 = tpu.memref_slice %arg2[%dma_wait3A_67, %dma_wait3A_68] : memref<10000x128xf32, #tpu.memory_space<hbm>> -> memref<10000x128xf32, #tpu.memory_space<hbm>>
      tpu.wait_indirect_dma semaphore(%arg12 : memref<!tpu.dma_semaphore, #tpu.memory_space<semaphore_mem>>) src(%dma_wait3A_69 : memref<10000x128xf32, #tpu.memory_space<hbm>>) dst(%arg10 : memref<128x128xf32, #tpu.memory_space<vmem>>)
      "tpu.region"() ({
        %run_scoped3A = tpu.sem_alloc : memref<!tpu.dma_semaphore, #tpu.memory_space<semaphore_mem>>
        %dma_start3A_77 = arith.constant 0 : i32
        %dma_start3A_78 = tpu.memref_slice %arg8[%add3A_63, %dma_start3A_77] : memref<40x128xi32, #tpu.memory_space<vmem>> -> memref<1x128xi32, #tpu.memory_space<vmem>>
        %dma_start3A_79 = tpu.memref_squeeze %dma_start3A_78 : memref<1x128xi32, #tpu.memory_space<vmem>> -> memref<128xi32, #tpu.memory_space<vmem>>
        %dma_start3A_80 = arith.constant 0 : i32
        %dma_start3A_81 = arith.constant 0 : i32
        %dma_start3A_82 = tpu.memref_slice %arg13[%dma_start3A_80, %dma_start3A_81] : memref<10112x128xf32, #tpu.memory_space<vmem_shared>> -> memref<10112x128xf32, #tpu.memory_space<vmem_shared>>
        tpu.enqueue_indirect_dma source(%arg10 : memref<128x128xf32, #tpu.memory_space<vmem>>) target(%dma_start3A_82 : memref<10112x128xf32, #tpu.memory_space<vmem_shared>>) offsets(%dma_start3A_79 : memref<128xi32, #tpu.memory_space<vmem>>) semaphore(%run_scoped3A : memref<!tpu.dma_semaphore, #tpu.memory_space<semaphore_mem>>) {add = true}
        %dma_wait3A_83 = arith.constant 0 : i32
        %dma_wait3A_84 = tpu.memref_slice %arg8[%add3A_63, %dma_wait3A_83] : memref<40x128xi32, #tpu.memory_space<vmem>> -> memref<1x128xi32, #tpu.memory_space<vmem>>
        %dma_wait3A_85 = tpu.memref_squeeze %dma_wait3A_84 : memref<1x128xi32, #tpu.memory_space<vmem>> -> memref<128xi32, #tpu.memory_space<vmem>>
        %dma_wait3A_86 = arith.constant 0 : i32
        %dma_wait3A_87 = arith.constant 0 : i32
        %dma_wait3A_88 = tpu.memref_slice %arg13[%dma_wait3A_86, %dma_wait3A_87] : memref<10112x128xf32, #tpu.memory_space<vmem_shared>> -> memref<10112x128xf32, #tpu.memory_space<vmem_shared>>
        tpu.wait_indirect_dma semaphore(%run_scoped3A : memref<!tpu.dma_semaphore, #tpu.memory_space<semaphore_mem>>) src(%arg10 : memref<128x128xf32, #tpu.memory_space<vmem>>) dst(%dma_wait3A_88 : memref<10112x128xf32, #tpu.memory_space<vmem_shared>>)
        tpu.yield
      }) : () -> ()
      %add3A_70 = arith.constant 2 : i32
      %add3A_71 = arith.addi %add3A_63, %add3A_70 : i32
      %lt3A_72 = arith.constant 40 : i32
      %lt3A_73 = arith.cmpi slt, %add3A_71, %lt3A_72 : i32
      %convert_element_type3A_74 = arith.extui %lt3A_73 : i1 to i32
      %cond3A_75 = arith.constant 0 : i32
      %cond3A_76 = arith.cmpi ne, %convert_element_type3A_74, %cond3A_75 : i32
      scf.if %cond3A_76 {
        %add3A_77 = arith.constant 2 : i32
        %add3A_78 = arith.addi %add3A_63, %add3A_77 : i32
        %dma_start3A_79 = arith.constant 0 : i32
        %dma_start3A_80 = tpu.memref_slice %arg7[%add3A_78, %dma_start3A_79] : memref<40x128xi32, #tpu.memory_space<vmem>> -> memref<1x128xi32, #tpu.memory_space<vmem>>
        %dma_start3A_81 = tpu.memref_squeeze %dma_start3A_80 : memref<1x128xi32, #tpu.memory_space<vmem>> -> memref<128xi32, #tpu.memory_space<vmem>>
        %dma_start3A_82 = arith.constant 0 : i32
        %dma_start3A_83 = arith.constant 0 : i32
        %dma_start3A_84 = tpu.memref_slice %arg2[%dma_start3A_82, %dma_start3A_83] : memref<10000x128xf32, #tpu.memory_space<hbm>> -> memref<10000x128xf32, #tpu.memory_space<hbm>>
        tpu.enqueue_indirect_dma source(%dma_start3A_84 : memref<10000x128xf32, #tpu.memory_space<hbm>>) target(%arg10 : memref<128x128xf32, #tpu.memory_space<vmem>>) offsets(%dma_start3A_81 : memref<128xi32, #tpu.memory_space<vmem>>) semaphore(%arg12 : memref<!tpu.dma_semaphore, #tpu.memory_space<semaphore_mem>>)
      } else {
      }
    }
    %scan3A_22 = arith.constant 20 : i32
    "tpu.region"() ({
      %run_scoped3A = tpu.sem_alloc : memref<!tpu.dma_semaphore, #tpu.memory_space<semaphore_mem>>
      %dma_start3A_48 = arith.constant 40 : i32
      %dma_start3A_49 = arith.constant 0 : i32
      %dma_start3A_50 = tpu.memref_slice %arg3[%add3A, %dma_start3A_48, %dma_start3A_49] : memref<32x80x128xi32, #tpu.memory_space<hbm>> -> memref<1x40x128xi32, #tpu.memory_space<hbm>>
      %dma_start3A_51 = tpu.memref_squeeze %dma_start3A_50 : memref<1x40x128xi32, #tpu.memory_space<hbm>> -> memref<40x128xi32, #tpu.memory_space<hbm>>
      %dma_start3A_52 = arith.constant 40 : i32
      %dma_start3A_53 = arith.constant 0 : i32
      %dma_start3A_54 = tpu.memref_slice %arg3[%add3A, %dma_start3A_52, %dma_start3A_53] : memref<32x80x128xi32, #tpu.memory_space<hbm>> -> memref<1x40x128xi32, #tpu.memory_space<hbm>>
      %dma_start3A_55 = tpu.memref_squeeze %dma_start3A_54 : memref<1x40x128xi32, #tpu.memory_space<hbm>> -> memref<40x128xi32, #tpu.memory_space<hbm>>
      tpu.enqueue_dma source(%dma_start3A_55 : memref<40x128xi32, #tpu.memory_space<hbm>>) target(%arg7 : memref<40x128xi32, #tpu.memory_space<vmem>>) target_semaphore(%run_scoped3A : memref<!tpu.dma_semaphore, #tpu.memory_space<semaphore_mem>>)
      %dma_wait3A = arith.constant 40 : i32
      %dma_wait3A_56 = arith.constant 0 : i32
      %dma_wait3A_57 = tpu.memref_slice %arg3[%add3A, %dma_wait3A, %dma_wait3A_56] : memref<32x80x128xi32, #tpu.memory_space<hbm>> -> memref<1x40x128xi32, #tpu.memory_space<hbm>>
      %dma_wait3A_58 = tpu.memref_squeeze %dma_wait3A_57 : memref<1x40x128xi32, #tpu.memory_space<hbm>> -> memref<40x128xi32, #tpu.memory_space<hbm>>
      %dma_wait3A_59 = arith.constant 40 : i32
      %dma_wait3A_60 = arith.constant 0 : i32
      %dma_wait3A_61 = tpu.memref_slice %arg3[%add3A, %dma_wait3A_59, %dma_wait3A_60] : memref<32x80x128xi32, #tpu.memory_space<hbm>> -> memref<1x40x128xi32, #tpu.memory_space<hbm>>
      %dma_wait3A_62 = tpu.memref_squeeze %dma_wait3A_61 : memref<1x40x128xi32, #tpu.memory_space<hbm>> -> memref<40x128xi32, #tpu.memory_space<hbm>>
      tpu.wait_dma2 semaphore(%run_scoped3A : memref<!tpu.dma_semaphore, #tpu.memory_space<semaphore_mem>>) src(%dma_wait3A_62 : memref<40x128xi32, #tpu.memory_space<hbm>>) dst(%arg7 : memref<40x128xi32, #tpu.memory_space<vmem>>)
      tpu.yield
    }) : () -> ()
    "tpu.region"() ({
      %run_scoped3A = tpu.sem_alloc : memref<!tpu.dma_semaphore, #tpu.memory_space<semaphore_mem>>
      %dma_start3A_48 = arith.constant 40 : i32
      %dma_start3A_49 = arith.constant 0 : i32
      %dma_start3A_50 = tpu.memref_slice %arg4[%add3A, %dma_start3A_48, %dma_start3A_49] : memref<32x80x128xi32, #tpu.memory_space<hbm>> -> memref<1x40x128xi32, #tpu.memory_space<hbm>>
      %dma_start3A_51 = tpu.memref_squeeze %dma_start3A_50 : memref<1x40x128xi32, #tpu.memory_space<hbm>> -> memref<40x128xi32, #tpu.memory_space<hbm>>
      %dma_start3A_52 = arith.constant 40 : i32
      %dma_start3A_53 = arith.constant 0 : i32
      %dma_start3A_54 = tpu.memref_slice %arg4[%add3A, %dma_start3A_52, %dma_start3A_53] : memref<32x80x128xi32, #tpu.memory_space<hbm>> -> memref<1x40x128xi32, #tpu.memory_space<hbm>>
      %dma_start3A_55 = tpu.memref_squeeze %dma_start3A_54 : memref<1x40x128xi32, #tpu.memory_space<hbm>> -> memref<40x128xi32, #tpu.memory_space<hbm>>
      tpu.enqueue_dma source(%dma_start3A_55 : memref<40x128xi32, #tpu.memory_space<hbm>>) target(%arg8 : memref<40x128xi32, #tpu.memory_space<vmem>>) target_semaphore(%run_scoped3A : memref<!tpu.dma_semaphore, #tpu.memory_space<semaphore_mem>>)
      %dma_wait3A = arith.constant 40 : i32
      %dma_wait3A_56 = arith.constant 0 : i32
      %dma_wait3A_57 = tpu.memref_slice %arg4[%add3A, %dma_wait3A, %dma_wait3A_56] : memref<32x80x128xi32, #tpu.memory_space<hbm>> -> memref<1x40x128xi32, #tpu.memory_space<hbm>>
      %dma_wait3A_58 = tpu.memref_squeeze %dma_wait3A_57 : memref<1x40x128xi32, #tpu.memory_space<hbm>> -> memref<40x128xi32, #tpu.memory_space<hbm>>
      %dma_wait3A_59 = arith.constant 40 : i32
      %dma_wait3A_60 = arith.constant 0 : i32
      %dma_wait3A_61 = tpu.memref_slice %arg4[%add3A, %dma_wait3A_59, %dma_wait3A_60] : memref<32x80x128xi32, #tpu.memory_space<hbm>> -> memref<1x40x128xi32, #tpu.memory_space<hbm>>
      %dma_wait3A_62 = tpu.memref_squeeze %dma_wait3A_61 : memref<1x40x128xi32, #tpu.memory_space<hbm>> -> memref<40x128xi32, #tpu.memory_space<hbm>>
      tpu.wait_dma2 semaphore(%run_scoped3A : memref<!tpu.dma_semaphore, #tpu.memory_space<semaphore_mem>>) src(%dma_wait3A_62 : memref<40x128xi32, #tpu.memory_space<hbm>>) dst(%arg8 : memref<40x128xi32, #tpu.memory_space<vmem>>)
      tpu.yield
    }) : () -> ()
    %dma_start3A_23 = arith.constant 0 : i32
    %dma_start3A_24 = arith.constant 0 : i32
    %dma_start3A_25 = tpu.memref_slice %arg7[%dma_start3A_23, %dma_start3A_24] : memref<40x128xi32, #tpu.memory_space<vmem>> -> memref<1x128xi32, #tpu.memory_space<vmem>>
    %dma_start3A_26 = tpu.memref_squeeze %dma_start3A_25 : memref<1x128xi32, #tpu.memory_space<vmem>> -> memref<128xi32, #tpu.memory_space<vmem>>
    %dma_start3A_27 = arith.constant 0 : i32
    %dma_start3A_28 = arith.constant 0 : i32
    %dma_start3A_29 = tpu.memref_slice %arg2[%dma_start3A_27, %dma_start3A_28] : memref<10000x128xf32, #tpu.memory_space<hbm>> -> memref<10000x128xf32, #tpu.memory_space<hbm>>
    tpu.enqueue_indirect_dma source(%dma_start3A_29 : memref<10000x128xf32, #tpu.memory_space<hbm>>) target(%arg9 : memref<128x128xf32, #tpu.memory_space<vmem>>) offsets(%dma_start3A_26 : memref<128xi32, #tpu.memory_space<vmem>>) semaphore(%arg11 : memref<!tpu.dma_semaphore, #tpu.memory_space<semaphore_mem>>)
    %dma_start3A_30 = arith.constant 1 : i32
    %dma_start3A_31 = arith.constant 0 : i32
    %dma_start3A_32 = tpu.memref_slice %arg7[%dma_start3A_30, %dma_start3A_31] : memref<40x128xi32, #tpu.memory_space<vmem>> -> memref<1x128xi32, #tpu.memory_space<vmem>>
    %dma_start3A_33 = tpu.memref_squeeze %dma_start3A_32 : memref<1x128xi32, #tpu.memory_space<vmem>> -> memref<128xi32, #tpu.memory_space<vmem>>
    %dma_start3A_34 = arith.constant 0 : i32
    %dma_start3A_35 = arith.constant 0 : i32
    %dma_start3A_36 = tpu.memref_slice %arg2[%dma_start3A_34, %dma_start3A_35] : memref<10000x128xf32, #tpu.memory_space<hbm>> -> memref<10000x128xf32, #tpu.memory_space<hbm>>
    tpu.enqueue_indirect_dma source(%dma_start3A_36 : memref<10000x128xf32, #tpu.memory_space<hbm>>) target(%arg10 : memref<128x128xf32, #tpu.memory_space<vmem>>) offsets(%dma_start3A_33 : memref<128xi32, #tpu.memory_space<vmem>>) semaphore(%arg12 : memref<!tpu.dma_semaphore, #tpu.memory_space<semaphore_mem>>)
    %scan3A_37 = arith.constant 0 : i32
    %scan3A_38 = arith.constant 0 : i32
    %scan3A_39 = arith.constant 20 : i32
    %scan3A_40 = arith.addi %scan3A_38, %scan3A_39 : i32
    %scan3A_41 = arith.constant 1 : i32
    scf.for %scan3A_48 = %scan3A_38 to %scan3A_40 step %scan3A_41  : i32 {
      %mul3A_49 = arith.constant 2 : i32
      %mul3A_50 = arith.muli %scan3A_48, %mul3A_49 : i32
      %add3A_51 = arith.constant 0 : i32
      %add3A_52 = arith.addi %mul3A_50, %add3A_51 : i32
      %dma_wait3A = arith.constant 0 : i32
      %dma_wait3A_53 = tpu.memref_slice %arg7[%add3A_52, %dma_wait3A] : memref<40x128xi32, #tpu.memory_space<vmem>> -> memref<1x128xi32, #tpu.memory_space<vmem>>
      %dma_wait3A_54 = tpu.memref_squeeze %dma_wait3A_53 : memref<1x128xi32, #tpu.memory_space<vmem>> -> memref<128xi32, #tpu.memory_space<vmem>>
      %dma_wait3A_55 = arith.constant 0 : i32
      %dma_wait3A_56 = arith.constant 0 : i32
      %dma_wait3A_57 = tpu.memref_slice %arg2[%dma_wait3A_55, %dma_wait3A_56] : memref<10000x128xf32, #tpu.memory_space<hbm>> -> memref<10000x128xf32, #tpu.memory_space<hbm>>
      tpu.wait_indirect_dma semaphore(%arg11 : memref<!tpu.dma_semaphore, #tpu.memory_space<semaphore_mem>>) src(%dma_wait3A_57 : memref<10000x128xf32, #tpu.memory_space<hbm>>) dst(%arg9 : memref<128x128xf32, #tpu.memory_space<vmem>>)
      "tpu.region"() ({
        %run_scoped3A = tpu.sem_alloc : memref<!tpu.dma_semaphore, #tpu.memory_space<semaphore_mem>>
        %dma_start3A_77 = arith.constant 0 : i32
        %dma_start3A_78 = tpu.memref_slice %arg8[%add3A_52, %dma_start3A_77] : memref<40x128xi32, #tpu.memory_space<vmem>> -> memref<1x128xi32, #tpu.memory_space<vmem>>
        %dma_start3A_79 = tpu.memref_squeeze %dma_start3A_78 : memref<1x128xi32, #tpu.memory_space<vmem>> -> memref<128xi32, #tpu.memory_space<vmem>>
        %dma_start3A_80 = arith.constant 0 : i32
        %dma_start3A_81 = arith.constant 0 : i32
        %dma_start3A_82 = tpu.memref_slice %arg13[%dma_start3A_80, %dma_start3A_81] : memref<10112x128xf32, #tpu.memory_space<vmem_shared>> -> memref<10112x128xf32, #tpu.memory_space<vmem_shared>>
        tpu.enqueue_indirect_dma source(%arg9 : memref<128x128xf32, #tpu.memory_space<vmem>>) target(%dma_start3A_82 : memref<10112x128xf32, #tpu.memory_space<vmem_shared>>) offsets(%dma_start3A_79 : memref<128xi32, #tpu.memory_space<vmem>>) semaphore(%run_scoped3A : memref<!tpu.dma_semaphore, #tpu.memory_space<semaphore_mem>>) {add = true}
        %dma_wait3A_83 = arith.constant 0 : i32
        %dma_wait3A_84 = tpu.memref_slice %arg8[%add3A_52, %dma_wait3A_83] : memref<40x128xi32, #tpu.memory_space<vmem>> -> memref<1x128xi32, #tpu.memory_space<vmem>>
        %dma_wait3A_85 = tpu.memref_squeeze %dma_wait3A_84 : memref<1x128xi32, #tpu.memory_space<vmem>> -> memref<128xi32, #tpu.memory_space<vmem>>
        %dma_wait3A_86 = arith.constant 0 : i32
        %dma_wait3A_87 = arith.constant 0 : i32
        %dma_wait3A_88 = tpu.memref_slice %arg13[%dma_wait3A_86, %dma_wait3A_87] : memref<10112x128xf32, #tpu.memory_space<vmem_shared>> -> memref<10112x128xf32, #tpu.memory_space<vmem_shared>>
        tpu.wait_indirect_dma semaphore(%run_scoped3A : memref<!tpu.dma_semaphore, #tpu.memory_space<semaphore_mem>>) src(%arg9 : memref<128x128xf32, #tpu.memory_space<vmem>>) dst(%dma_wait3A_88 : memref<10112x128xf32, #tpu.memory_space<vmem_shared>>)
        tpu.yield
      }) : () -> ()
      %add3A_58 = arith.constant 2 : i32
      %add3A_59 = arith.addi %add3A_52, %add3A_58 : i32
      %lt3A = arith.constant 40 : i32
      %lt3A_60 = arith.cmpi slt, %add3A_59, %lt3A : i32
      %convert_element_type3A = arith.extui %lt3A_60 : i1 to i32
      %cond3A = arith.constant 0 : i32
      %cond3A_61 = arith.cmpi ne, %convert_element_type3A, %cond3A : i32
      scf.if %cond3A_61 {
        %add3A_77 = arith.constant 2 : i32
        %add3A_78 = arith.addi %add3A_52, %add3A_77 : i32
        %dma_start3A_79 = arith.constant 0 : i32
        %dma_start3A_80 = tpu.memref_slice %arg7[%add3A_78, %dma_start3A_79] : memref<40x128xi32, #tpu.memory_space<vmem>> -> memref<1x128xi32, #tpu.memory_space<vmem>>
        %dma_start3A_81 = tpu.memref_squeeze %dma_start3A_80 : memref<1x128xi32, #tpu.memory_space<vmem>> -> memref<128xi32, #tpu.memory_space<vmem>>
        %dma_start3A_82 = arith.constant 0 : i32
        %dma_start3A_83 = arith.constant 0 : i32
        %dma_start3A_84 = tpu.memref_slice %arg2[%dma_start3A_82, %dma_start3A_83] : memref<10000x128xf32, #tpu.memory_space<hbm>> -> memref<10000x128xf32, #tpu.memory_space<hbm>>
        tpu.enqueue_indirect_dma source(%dma_start3A_84 : memref<10000x128xf32, #tpu.memory_space<hbm>>) target(%arg9 : memref<128x128xf32, #tpu.memory_space<vmem>>) offsets(%dma_start3A_81 : memref<128xi32, #tpu.memory_space<vmem>>) semaphore(%arg11 : memref<!tpu.dma_semaphore, #tpu.memory_space<semaphore_mem>>)
      } else {
      }
      %add3A_62 = arith.constant 1 : i32
      %add3A_63 = arith.addi %mul3A_50, %add3A_62 : i32
      %dma_wait3A_64 = arith.constant 0 : i32
      %dma_wait3A_65 = tpu.memref_slice %arg7[%add3A_63, %dma_wait3A_64] : memref<40x128xi32, #tpu.memory_space<vmem>> -> memref<1x128xi32, #tpu.memory_space<vmem>>
      %dma_wait3A_66 = tpu.memref_squeeze %dma_wait3A_65 : memref<1x128xi32, #tpu.memory_space<vmem>> -> memref<128xi32, #tpu.memory_space<vmem>>
      %dma_wait3A_67 = arith.constant 0 : i32
      %dma_wait3A_68 = arith.constant 0 : i32
      %dma_wait3A_69 = tpu.memref_slice %arg2[%dma_wait3A_67, %dma_wait3A_68] : memref<10000x128xf32, #tpu.memory_space<hbm>> -> memref<10000x128xf32, #tpu.memory_space<hbm>>
      tpu.wait_indirect_dma semaphore(%arg12 : memref<!tpu.dma_semaphore, #tpu.memory_space<semaphore_mem>>) src(%dma_wait3A_69 : memref<10000x128xf32, #tpu.memory_space<hbm>>) dst(%arg10 : memref<128x128xf32, #tpu.memory_space<vmem>>)
      "tpu.region"() ({
        %run_scoped3A = tpu.sem_alloc : memref<!tpu.dma_semaphore, #tpu.memory_space<semaphore_mem>>
        %dma_start3A_77 = arith.constant 0 : i32
        %dma_start3A_78 = tpu.memref_slice %arg8[%add3A_63, %dma_start3A_77] : memref<40x128xi32, #tpu.memory_space<vmem>> -> memref<1x128xi32, #tpu.memory_space<vmem>>
        %dma_start3A_79 = tpu.memref_squeeze %dma_start3A_78 : memref<1x128xi32, #tpu.memory_space<vmem>> -> memref<128xi32, #tpu.memory_space<vmem>>
        %dma_start3A_80 = arith.constant 0 : i32
        %dma_start3A_81 = arith.constant 0 : i32
        %dma_start3A_82 = tpu.memref_slice %arg13[%dma_start3A_80, %dma_start3A_81] : memref<10112x128xf32, #tpu.memory_space<vmem_shared>> -> memref<10112x128xf32, #tpu.memory_space<vmem_shared>>
        tpu.enqueue_indirect_dma source(%arg10 : memref<128x128xf32, #tpu.memory_space<vmem>>) target(%dma_start3A_82 : memref<10112x128xf32, #tpu.memory_space<vmem_shared>>) offsets(%dma_start3A_79 : memref<128xi32, #tpu.memory_space<vmem>>) semaphore(%run_scoped3A : memref<!tpu.dma_semaphore, #tpu.memory_space<semaphore_mem>>) {add = true}
        %dma_wait3A_83 = arith.constant 0 : i32
        %dma_wait3A_84 = tpu.memref_slice %arg8[%add3A_63, %dma_wait3A_83] : memref<40x128xi32, #tpu.memory_space<vmem>> -> memref<1x128xi32, #tpu.memory_space<vmem>>
        %dma_wait3A_85 = tpu.memref_squeeze %dma_wait3A_84 : memref<1x128xi32, #tpu.memory_space<vmem>> -> memref<128xi32, #tpu.memory_space<vmem>>
        %dma_wait3A_86 = arith.constant 0 : i32
        %dma_wait3A_87 = arith.constant 0 : i32
        %dma_wait3A_88 = tpu.memref_slice %arg13[%dma_wait3A_86, %dma_wait3A_87] : memref<10112x128xf32, #tpu.memory_space<vmem_shared>> -> memref<10112x128xf32, #tpu.memory_space<vmem_shared>>
        tpu.wait_indirect_dma semaphore(%run_scoped3A : memref<!tpu.dma_semaphore, #tpu.memory_space<semaphore_mem>>) src(%arg10 : memref<128x128xf32, #tpu.memory_space<vmem>>) dst(%dma_wait3A_88 : memref<10112x128xf32, #tpu.memory_space<vmem_shared>>)
        tpu.yield
      }) : () -> ()
      %add3A_70 = arith.constant 2 : i32
      %add3A_71 = arith.addi %add3A_63, %add3A_70 : i32
      %lt3A_72 = arith.constant 40 : i32
      %lt3A_73 = arith.cmpi slt, %add3A_71, %lt3A_72 : i32
      %convert_element_type3A_74 = arith.extui %lt3A_73 : i1 to i32
      %cond3A_75 = arith.constant 0 : i32
      %cond3A_76 = arith.cmpi ne, %convert_element_type3A_74, %cond3A_75 : i32
      scf.if %cond3A_76 {
        %add3A_77 = arith.constant 2 : i32
        %add3A_78 = arith.addi %add3A_63, %add3A_77 : i32
        %dma_start3A_79 = arith.constant 0 : i32
        %dma_start3A_80 = tpu.memref_slice %arg7[%add3A_78, %dma_start3A_79] : memref<40x128xi32, #tpu.memory_space<vmem>> -> memref<1x128xi32, #tpu.memory_space<vmem>>
        %dma_start3A_81 = tpu.memref_squeeze %dma_start3A_80 : memref<1x128xi32, #tpu.memory_space<vmem>> -> memref<128xi32, #tpu.memory_space<vmem>>
        %dma_start3A_82 = arith.constant 0 : i32
        %dma_start3A_83 = arith.constant 0 : i32
        %dma_start3A_84 = tpu.memref_slice %arg2[%dma_start3A_82, %dma_start3A_83] : memref<10000x128xf32, #tpu.memory_space<hbm>> -> memref<10000x128xf32, #tpu.memory_space<hbm>>
        tpu.enqueue_indirect_dma source(%dma_start3A_84 : memref<10000x128xf32, #tpu.memory_space<hbm>>) target(%arg10 : memref<128x128xf32, #tpu.memory_space<vmem>>) offsets(%dma_start3A_81 : memref<128xi32, #tpu.memory_space<vmem>>) semaphore(%arg12 : memref<!tpu.dma_semaphore, #tpu.memory_space<semaphore_mem>>)
      } else {
      }
    }
    %scan3A_42 = arith.constant 20 : i32
    %barrier3A_43 = arith.constant 0 : index
    tpu.barrier barrier_id(%barrier3A_43)
    %mul3A_44 = arith.constant 632 : i32
    %mul3A_45 = arith.muli %arg1, %mul3A_44 : i32
    %mul3A_46 = arith.constant 632 : i32
    %mul3A_47 = arith.muli %arg1, %mul3A_46 : i32
    "tpu.region"() ({
      %run_scoped3A = tpu.sem_alloc : memref<!tpu.dma_semaphore, #tpu.memory_space<semaphore_mem>>
      %dma_start3A_48 = arith.constant 0 : i32
      %dma_start3A_49 = tpu.memref_slice %arg6[%arg0, %mul3A_47, %dma_start3A_48] : memref<2x10112x128xf32, #tpu.memory_space<hbm>> -> memref<1x632x128xf32, #tpu.memory_space<hbm>>
      %dma_start3A_50 = tpu.memref_squeeze %dma_start3A_49 : memref<1x632x128xf32, #tpu.memory_space<hbm>> -> memref<632x128xf32, #tpu.memory_space<hbm>>
      %dma_start3A_51 = arith.constant 0 : i32
      %dma_start3A_52 = tpu.memref_slice %arg13[%mul3A_45, %dma_start3A_51] : memref<10112x128xf32, #tpu.memory_space<vmem_shared>> -> memref<632x128xf32, #tpu.memory_space<vmem_shared>>
      tpu.enqueue_dma source(%dma_start3A_52 : memref<632x128xf32, #tpu.memory_space<vmem_shared>>) target(%dma_start3A_50 : memref<632x128xf32, #tpu.memory_space<hbm>>) target_semaphore(%run_scoped3A : memref<!tpu.dma_semaphore, #tpu.memory_space<semaphore_mem>>)
      %dma_wait3A = arith.constant 0 : i32
      %dma_wait3A_53 = tpu.memref_slice %arg6[%arg0, %mul3A_47, %dma_wait3A] : memref<2x10112x128xf32, #tpu.memory_space<hbm>> -> memref<1x632x128xf32, #tpu.memory_space<hbm>>
      %dma_wait3A_54 = tpu.memref_squeeze %dma_wait3A_53 : memref<1x632x128xf32, #tpu.memory_space<hbm>> -> memref<632x128xf32, #tpu.memory_space<hbm>>
      %dma_wait3A_55 = arith.constant 0 : i32
      %dma_wait3A_56 = tpu.memref_slice %arg13[%mul3A_45, %dma_wait3A_55] : memref<10112x128xf32, #tpu.memory_space<vmem_shared>> -> memref<632x128xf32, #tpu.memory_space<vmem_shared>>
      tpu.wait_dma2 semaphore(%run_scoped3A : memref<!tpu.dma_semaphore, #tpu.memory_space<semaphore_mem>>) src(%dma_wait3A_56 : memref<632x128xf32, #tpu.memory_space<vmem_shared>>) dst(%dma_wait3A_54 : memref<632x128xf32, #tpu.memory_space<hbm>>)
      tpu.yield
    }) : () -> ()
    return
  }
}

module attributes {stable_mosaic.version = 14 : i64} {
  func.func @_tc1_body(%arg0: i32, %arg1: memref<1000x128xf32, #tpu.memory_space<vmem>>, %arg2: memref<2x1000x128xf32, #tpu.memory_space<vmem>>, %arg3: memref<128x128xf32, #tpu.memory_space<vmem>>, %arg4: memref<1x128xf32, #tpu.memory_space<vmem>>, %arg5: memref<1000x128xf32, #tpu.memory_space<vmem>>) attributes {dimension_semantics = [#tpu.dimension_semantics<arbitrary>], iteration_bounds = array<i64: 10>, scalar_prefetch = 0 : i64, scratch_operands = 0 : i64, tpu.core_type = #tpu.core_type<tc>, window_params = [{transform_indices = @transform_0, window_bounds = array<i64: 1000, 128>}, {transform_indices = @transform_1, window_bounds = array<i64: 2, 1000, 128>}, {pipeline_mode = #tpu.pipeline_mode<synchronous>, transform_indices = @transform_2, window_bounds = array<i64: 128, 128>}, {pipeline_mode = #tpu.pipeline_mode<synchronous>, transform_indices = @transform_3, window_bounds = array<i64: 1, 128>}, {transform_indices = @transform_4, window_bounds = array<i64: 1000, 128>}]} {
    %get3A = arith.constant 0 : index
    %get3A_0 = arith.constant 0 : index
    %get3A_1 = vector.load %arg1[%get3A, %get3A_0] : memref<1000x128xf32, #tpu.memory_space<vmem>>, vector<1000x128xf32>
    %get3A_2 = arith.constant 0 : index
    %get3A_3 = arith.constant 0 : index
    %get3A_4 = arith.constant 0 : index
    %get3A_5 = vector.load %arg2[%get3A_2, %get3A_3, %get3A_4] : memref<2x1000x128xf32, #tpu.memory_space<vmem>>, vector<1x1000x128xf32>
    %get3A_6 = vector.shape_cast %get3A_5 : vector<1x1000x128xf32> to vector<1000x128xf32>
    %add3A = arith.addf %get3A_1, %get3A_6 : vector<1000x128xf32>
    %get3A_7 = arith.constant 1 : index
    %get3A_8 = arith.constant 0 : index
    %get3A_9 = arith.constant 0 : index
    %get3A_10 = vector.load %arg2[%get3A_7, %get3A_8, %get3A_9] : memref<2x1000x128xf32, #tpu.memory_space<vmem>>, vector<1x1000x128xf32>
    %get3A_11 = vector.shape_cast %get3A_10 : vector<1x1000x128xf32> to vector<1000x128xf32>
    %add3A_12 = arith.addf %add3A, %get3A_11 : vector<1000x128xf32>
    %get3A_13 = arith.constant 0 : index
    %get3A_14 = arith.constant 0 : index
    %get3A_15 = vector.load %arg3[%get3A_13, %get3A_14] : memref<128x128xf32, #tpu.memory_space<vmem>>, vector<128x128xf32>
    %dot_general3A = arith.constant dense<0.000000e+00> : vector<1000x128xf32>
    %dot_general3A_16 = tpu.matmul %add3A_12, %get3A_15, %dot_general3A {dimension_numbers = #tpu.dot_dimension_numbers<[1], [0], [0], [1], [0, 0, 1, 1], [], []>, transpose_lhs_hint = false} : vector<1000x128xf32>, vector<128x128xf32>, vector<1000x128xf32> -> vector<1000x128xf32>
    %get3A_17 = arith.constant 0 : index
    %get3A_18 = arith.constant 0 : index
    %get3A_19 = vector.load %arg4[%get3A_17, %get3A_18] : memref<1x128xf32, #tpu.memory_space<vmem>>, vector<1x128xf32>
    %add3A_20 = vector.broadcast %get3A_19 : vector<1x128xf32> to vector<1000x128xf32>
    %add3A_21 = arith.addf %dot_general3A_16, %add3A_20 : vector<1000x128xf32>
    %gt3A = arith.constant 0.000000e+00 : f32
    %gt3A_22 = vector.broadcast %gt3A : f32 to vector<1000x128xf32>
    %gt3A_23 = arith.cmpf ogt, %add3A_21, %gt3A_22 : vector<1000x128xf32>
    %mul3A = arith.constant 0.00999999977 : f32
    %mul3A_24 = vector.broadcast %mul3A : f32 to vector<1000x128xf32>
    %mul3A_25 = arith.mulf %mul3A_24, %add3A_21 : vector<1000x128xf32>
    %select_n3A = arith.select %gt3A_23, %add3A_21, %mul3A_25 : vector<1000x128xi1>, vector<1000x128xf32>
    %swap3A = arith.constant 0 : index
    %swap3A_26 = arith.constant 0 : index
    %swap3A_27 = vector.load %arg5[%swap3A, %swap3A_26] : memref<1000x128xf32, #tpu.memory_space<vmem>>, vector<1000x128xf32>
    tpu.vector_store %arg5[%swap3A, %swap3A_26], %select_n3A {strides = array<i32>} : memref<1000x128xf32, #tpu.memory_space<vmem>>, vector<1000x128xf32>,
    return
  }
  func.func @transform_0(%arg0: i32) -> (i32, i32) {
    %c0_i32 = arith.constant 0 : i32
    %c0_i32_0 = arith.constant 0 : i32
    return %arg0, %c0_i32 : i32, i32
  }
  func.func @transform_1(%arg0: i32) -> (i32, i32, i32) {
    %c0_i32 = arith.constant 0 : i32
    %c0_i32_0 = arith.constant 0 : i32
    %c0_i32_1 = arith.constant 0 : i32
    return %c0_i32, %arg0, %c0_i32_0 : i32, i32, i32
  }
  func.func @transform_2(%arg0: i32) -> (i32, i32) {
    %c0_i32 = arith.constant 0 : i32
    %c0_i32_0 = arith.constant 0 : i32
    %c0_i32_1 = arith.constant 0 : i32
    return %c0_i32, %c0_i32_0 : i32, i32
  }
  func.func @transform_3(%arg0: i32) -> (i32, i32) {
    %c0_i32 = arith.constant 0 : i32
    %c0_i32_0 = arith.constant 0 : i32
    %c0_i32_1 = arith.constant 0 : i32
    return %c0_i32, %c0_i32_0 : i32, i32
  }
  func.func @transform_4(%arg0: i32) -> (i32, i32) {
    %c0_i32 = arith.constant 0 : i32
    %c0_i32_0 = arith.constant 0 : i32
    return %arg0, %c0_i32 : i32, i32
  }
}

module attributes {stable_mosaic.version = 14 : i64} {
  func.func @_tc2_body(%arg0: i32, %arg1: memref<1000x128xf32, #tpu.memory_space<vmem>>, %arg2: memref<2x1000x128xf32, #tpu.memory_space<vmem>>, %arg3: memref<128x128xf32, #tpu.memory_space<vmem>>, %arg4: memref<1x128xf32, #tpu.memory_space<vmem>>, %arg5: memref<128x128xf32, #tpu.memory_space<vmem>>, %arg6: memref<1x128xf32, #tpu.memory_space<vmem>>, %arg7: memref<128x128xf32, #tpu.memory_space<vmem>>, %arg8: memref<1x128xf32, #tpu.memory_space<vmem>>, %arg9: memref<128x128xf32, #tpu.memory_space<vmem>>, %arg10: memref<1x128xf32, #tpu.memory_space<vmem>>, %arg11: memref<128x128xf32, #tpu.memory_space<vmem>>, %arg12: memref<1x128xf32, #tpu.memory_space<vmem>>, %arg13: memref<128x128xf32, #tpu.memory_space<vmem>>, %arg14: memref<1x128xf32, #tpu.memory_space<vmem>>, %arg15: memref<1000x128xf32, #tpu.memory_space<vmem>>) attributes {dimension_semantics = [#tpu.dimension_semantics<arbitrary>], iteration_bounds = array<i64: 10>, scalar_prefetch = 0 : i64, scratch_operands = 0 : i64, tpu.core_type = #tpu.core_type<tc>, window_params = [{transform_indices = @transform_0, window_bounds = array<i64: 1000, 128>}, {transform_indices = @transform_1, window_bounds = array<i64: 2, 1000, 128>}, {pipeline_mode = #tpu.pipeline_mode<synchronous>, transform_indices = @transform_2, window_bounds = array<i64: 128, 128>}, {pipeline_mode = #tpu.pipeline_mode<synchronous>, transform_indices = @transform_3, window_bounds = array<i64: 1, 128>}, {pipeline_mode = #tpu.pipeline_mode<synchronous>, transform_indices = @transform_4, window_bounds = array<i64: 128, 128>}, {pipeline_mode = #tpu.pipeline_mode<synchronous>, transform_indices = @transform_5, window_bounds = array<i64: 1, 128>}, {pipeline_mode = #tpu.pipeline_mode<synchronous>, transform_indices = @transform_6, window_bounds = array<i64: 128, 128>}, {pipeline_mode = #tpu.pipeline_mode<synchronous>, transform_indices = @transform_7, window_bounds = array<i64: 1, 128>}, {pipeline_mode = #tpu.pipeline_mode<synchronous>, transform_indices = @transform_8, window_bounds = array<i64: 128, 128>}, {pipeline_mode = #tpu.pipeline_mode<synchronous>, transform_indices = @transform_9, window_bounds = array<i64: 1, 128>}, {pipeline_mode = #tpu.pipeline_mode<synchronous>, transform_indices = @transform_10, window_bounds = array<i64: 128, 128>}, {pipeline_mode = #tpu.pipeline_mode<synchronous>, transform_indices = @transform_11, window_bounds = array<i64: 1, 128>}, {pipeline_mode = #tpu.pipeline_mode<synchronous>, transform_indices = @transform_12, window_bounds = array<i64: 128, 128>}, {pipeline_mode = #tpu.pipeline_mode<synchronous>, transform_indices = @transform_13, window_bounds = array<i64: 1, 128>}, {transform_indices = @transform_14, window_bounds = array<i64: 1000, 128>}]} {
    %get3A = arith.constant 0 : index
    %get3A_0 = arith.constant 0 : index
    %get3A_1 = vector.load %arg1[%get3A, %get3A_0] : memref<1000x128xf32, #tpu.memory_space<vmem>>, vector<1000x128xf32>
    %get3A_2 = arith.constant 0 : index
    %get3A_3 = arith.constant 0 : index
    %get3A_4 = arith.constant 0 : index
    %get3A_5 = vector.load %arg2[%get3A_2, %get3A_3, %get3A_4] : memref<2x1000x128xf32, #tpu.memory_space<vmem>>, vector<1x1000x128xf32>
    %get3A_6 = vector.shape_cast %get3A_5 : vector<1x1000x128xf32> to vector<1000x128xf32>
    %add3A = arith.addf %get3A_1, %get3A_6 : vector<1000x128xf32>
    %get3A_7 = arith.constant 1 : index
    %get3A_8 = arith.constant 0 : index
    %get3A_9 = arith.constant 0 : index
    %get3A_10 = vector.load %arg2[%get3A_7, %get3A_8, %get3A_9] : memref<2x1000x128xf32, #tpu.memory_space<vmem>>, vector<1x1000x128xf32>
    %get3A_11 = vector.shape_cast %get3A_10 : vector<1x1000x128xf32> to vector<1000x128xf32>
    %add3A_12 = arith.addf %add3A, %get3A_11 : vector<1000x128xf32>
    %get3A_13 = arith.constant 0 : index
    %get3A_14 = arith.constant 0 : index
    %get3A_15 = vector.load %arg3[%get3A_13, %get3A_14] : memref<128x128xf32, #tpu.memory_space<vmem>>, vector<128x128xf32>
    %dot_general3A = arith.constant dense<0.000000e+00> : vector<1000x128xf32>
    %dot_general3A_16 = tpu.matmul %add3A_12, %get3A_15, %dot_general3A {dimension_numbers = #tpu.dot_dimension_numbers<[1], [0], [0], [1], [0, 0, 1, 1], [], []>, transpose_lhs_hint = false} : vector<1000x128xf32>, vector<128x128xf32>, vector<1000x128xf32> -> vector<1000x128xf32>
    %get3A_17 = arith.constant 0 : index
    %get3A_18 = arith.constant 0 : index
    %get3A_19 = vector.load %arg4[%get3A_17, %get3A_18] : memref<1x128xf32, #tpu.memory_space<vmem>>, vector<1x128xf32>
    %add3A_20 = vector.broadcast %get3A_19 : vector<1x128xf32> to vector<1000x128xf32>
    %add3A_21 = arith.addf %dot_general3A_16, %add3A_20 : vector<1000x128xf32>
    %gt3A = arith.constant 0.000000e+00 : f32
    %gt3A_22 = vector.broadcast %gt3A : f32 to vector<1000x128xf32>
    %gt3A_23 = arith.cmpf ogt, %add3A_21, %gt3A_22 : vector<1000x128xf32>
    %mul3A = arith.constant 0.00999999977 : f32
    %mul3A_24 = vector.broadcast %mul3A : f32 to vector<1000x128xf32>
    %mul3A_25 = arith.mulf %mul3A_24, %add3A_21 : vector<1000x128xf32>
    %select_n3A = arith.select %gt3A_23, %add3A_21, %mul3A_25 : vector<1000x128xi1>, vector<1000x128xf32>
    %get3A_26 = arith.constant 0 : index
    %get3A_27 = arith.constant 0 : index
    %get3A_28 = vector.load %arg5[%get3A_26, %get3A_27] : memref<128x128xf32, #tpu.memory_space<vmem>>, vector<128x128xf32>
    %dot_general3A_29 = arith.constant dense<0.000000e+00> : vector<1000x128xf32>
    %dot_general3A_30 = tpu.matmul %select_n3A, %get3A_28, %dot_general3A_29 {dimension_numbers = #tpu.dot_dimension_numbers<[1], [0], [0], [1], [0, 0, 1, 1], [], []>, transpose_lhs_hint = false} : vector<1000x128xf32>, vector<128x128xf32>, vector<1000x128xf32> -> vector<1000x128xf32>
    %get3A_31 = arith.constant 0 : index
    %get3A_32 = arith.constant 0 : index
    %get3A_33 = vector.load %arg6[%get3A_31, %get3A_32] : memref<1x128xf32, #tpu.memory_space<vmem>>, vector<1x128xf32>
    %add3A_34 = vector.broadcast %get3A_33 : vector<1x128xf32> to vector<1000x128xf32>
    %add3A_35 = arith.addf %dot_general3A_30, %add3A_34 : vector<1000x128xf32>
    %gt3A_36 = arith.constant 0.000000e+00 : f32
    %gt3A_37 = vector.broadcast %gt3A_36 : f32 to vector<1000x128xf32>
    %gt3A_38 = arith.cmpf ogt, %add3A_35, %gt3A_37 : vector<1000x128xf32>
    %mul3A_39 = arith.constant 0.00999999977 : f32
    %mul3A_40 = vector.broadcast %mul3A_39 : f32 to vector<1000x128xf32>
    %mul3A_41 = arith.mulf %mul3A_40, %add3A_35 : vector<1000x128xf32>
    %select_n3A_42 = arith.select %gt3A_38, %add3A_35, %mul3A_41 : vector<1000x128xi1>, vector<1000x128xf32>
    %get3A_43 = arith.constant 0 : index
    %get3A_44 = arith.constant 0 : index
    %get3A_45 = vector.load %arg7[%get3A_43, %get3A_44] : memref<128x128xf32, #tpu.memory_space<vmem>>, vector<128x128xf32>
    %dot_general3A_46 = arith.constant dense<0.000000e+00> : vector<1000x128xf32>
    %dot_general3A_47 = tpu.matmul %select_n3A_42, %get3A_45, %dot_general3A_46 {dimension_numbers = #tpu.dot_dimension_numbers<[1], [0], [0], [1], [0, 0, 1, 1], [], []>, transpose_lhs_hint = false} : vector<1000x128xf32>, vector<128x128xf32>, vector<1000x128xf32> -> vector<1000x128xf32>
    %get3A_48 = arith.constant 0 : index
    %get3A_49 = arith.constant 0 : index
    %get3A_50 = vector.load %arg8[%get3A_48, %get3A_49] : memref<1x128xf32, #tpu.memory_space<vmem>>, vector<1x128xf32>
    %add3A_51 = vector.broadcast %get3A_50 : vector<1x128xf32> to vector<1000x128xf32>
    %add3A_52 = arith.addf %dot_general3A_47, %add3A_51 : vector<1000x128xf32>
    %gt3A_53 = arith.constant 0.000000e+00 : f32
    %gt3A_54 = vector.broadcast %gt3A_53 : f32 to vector<1000x128xf32>
    %gt3A_55 = arith.cmpf ogt, %add3A_52, %gt3A_54 : vector<1000x128xf32>
    %mul3A_56 = arith.constant 0.00999999977 : f32
    %mul3A_57 = vector.broadcast %mul3A_56 : f32 to vector<1000x128xf32>
    %mul3A_58 = arith.mulf %mul3A_57, %add3A_52 : vector<1000x128xf32>
    %select_n3A_59 = arith.select %gt3A_55, %add3A_52, %mul3A_58 : vector<1000x128xi1>, vector<1000x128xf32>
    %get3A_60 = arith.constant 0 : index
    %get3A_61 = arith.constant 0 : index
    %get3A_62 = vector.load %arg9[%get3A_60, %get3A_61] : memref<128x128xf32, #tpu.memory_space<vmem>>, vector<128x128xf32>
    %dot_general3A_63 = arith.constant dense<0.000000e+00> : vector<1000x128xf32>
    %dot_general3A_64 = tpu.matmul %select_n3A_59, %get3A_62, %dot_general3A_63 {dimension_numbers = #tpu.dot_dimension_numbers<[1], [0], [0], [1], [0, 0, 1, 1], [], []>, transpose_lhs_hint = false} : vector<1000x128xf32>, vector<128x128xf32>, vector<1000x128xf32> -> vector<1000x128xf32>
    %get3A_65 = arith.constant 0 : index
    %get3A_66 = arith.constant 0 : index
    %get3A_67 = vector.load %arg10[%get3A_65, %get3A_66] : memref<1x128xf32, #tpu.memory_space<vmem>>, vector<1x128xf32>
    %add3A_68 = vector.broadcast %get3A_67 : vector<1x128xf32> to vector<1000x128xf32>
    %add3A_69 = arith.addf %dot_general3A_64, %add3A_68 : vector<1000x128xf32>
    %gt3A_70 = arith.constant 0.000000e+00 : f32
    %gt3A_71 = vector.broadcast %gt3A_70 : f32 to vector<1000x128xf32>
    %gt3A_72 = arith.cmpf ogt, %add3A_69, %gt3A_71 : vector<1000x128xf32>
    %mul3A_73 = arith.constant 0.00999999977 : f32
    %mul3A_74 = vector.broadcast %mul3A_73 : f32 to vector<1000x128xf32>
    %mul3A_75 = arith.mulf %mul3A_74, %add3A_69 : vector<1000x128xf32>
    %select_n3A_76 = arith.select %gt3A_72, %add3A_69, %mul3A_75 : vector<1000x128xi1>, vector<1000x128xf32>
    %get3A_77 = arith.constant 0 : index
    %get3A_78 = arith.constant 0 : index
    %get3A_79 = vector.load %arg11[%get3A_77, %get3A_78] : memref<128x128xf32, #tpu.memory_space<vmem>>, vector<128x128xf32>
    %dot_general3A_80 = arith.constant dense<0.000000e+00> : vector<1000x128xf32>
    %dot_general3A_81 = tpu.matmul %select_n3A_76, %get3A_79, %dot_general3A_80 {dimension_numbers = #tpu.dot_dimension_numbers<[1], [0], [0], [1], [0, 0, 1, 1], [], []>, transpose_lhs_hint = false} : vector<1000x128xf32>, vector<128x128xf32>, vector<1000x128xf32> -> vector<1000x128xf32>
    %get3A_82 = arith.constant 0 : index
    %get3A_83 = arith.constant 0 : index
    %get3A_84 = vector.load %arg12[%get3A_82, %get3A_83] : memref<1x128xf32, #tpu.memory_space<vmem>>, vector<1x128xf32>
    %add3A_85 = vector.broadcast %get3A_84 : vector<1x128xf32> to vector<1000x128xf32>
    %add3A_86 = arith.addf %dot_general3A_81, %add3A_85 : vector<1000x128xf32>
    %gt3A_87 = arith.constant 0.000000e+00 : f32
    %gt3A_88 = vector.broadcast %gt3A_87 : f32 to vector<1000x128xf32>
    %gt3A_89 = arith.cmpf ogt, %add3A_86, %gt3A_88 : vector<1000x128xf32>
    %mul3A_90 = arith.constant 0.00999999977 : f32
    %mul3A_91 = vector.broadcast %mul3A_90 : f32 to vector<1000x128xf32>
    %mul3A_92 = arith.mulf %mul3A_91, %add3A_86 : vector<1000x128xf32>
    %select_n3A_93 = arith.select %gt3A_89, %add3A_86, %mul3A_92 : vector<1000x128xi1>, vector<1000x128xf32>
    %get3A_94 = arith.constant 0 : index
    %get3A_95 = arith.constant 0 : index
    %get3A_96 = vector.load %arg13[%get3A_94, %get3A_95] : memref<128x128xf32, #tpu.memory_space<vmem>>, vector<128x128xf32>
    %dot_general3A_97 = arith.constant dense<0.000000e+00> : vector<1000x128xf32>
    %dot_general3A_98 = tpu.matmul %select_n3A_93, %get3A_96, %dot_general3A_97 {dimension_numbers = #tpu.dot_dimension_numbers<[1], [0], [0], [1], [0, 0, 1, 1], [], []>, transpose_lhs_hint = false} : vector<1000x128xf32>, vector<128x128xf32>, vector<1000x128xf32> -> vector<1000x128xf32>
    %get3A_99 = arith.constant 0 : index
    %get3A_100 = arith.constant 0 : index
    %get3A_101 = vector.load %arg14[%get3A_99, %get3A_100] : memref<1x128xf32, #tpu.memory_space<vmem>>, vector<1x128xf32>
    %add3A_102 = vector.broadcast %get3A_101 : vector<1x128xf32> to vector<1000x128xf32>
    %add3A_103 = arith.addf %dot_general3A_98, %add3A_102 : vector<1000x128xf32>
    %swap3A = arith.constant 0 : index
    %swap3A_104 = arith.constant 0 : index
    %swap3A_105 = vector.load %arg15[%swap3A, %swap3A_104] : memref<1000x128xf32, #tpu.memory_space<vmem>>, vector<1000x128xf32>
    tpu.vector_store %arg15[%swap3A, %swap3A_104], %add3A_103 {strides = array<i32>} : memref<1000x128xf32, #tpu.memory_space<vmem>>, vector<1000x128xf32>,
    return
  }
  func.func @transform_0(%arg0: i32) -> (i32, i32) {
    %c0_i32 = arith.constant 0 : i32
    %c0_i32_0 = arith.constant 0 : i32
    return %arg0, %c0_i32 : i32, i32
  }
  func.func @transform_1(%arg0: i32) -> (i32, i32, i32) {
    %c0_i32 = arith.constant 0 : i32
    %c0_i32_0 = arith.constant 0 : i32
    %c0_i32_1 = arith.constant 0 : i32
    return %c0_i32, %arg0, %c0_i32_0 : i32, i32, i32
  }
  func.func @transform_2(%arg0: i32) -> (i32, i32) {
    %c0_i32 = arith.constant 0 : i32
    %c0_i32_0 = arith.constant 0 : i32
    %c0_i32_1 = arith.constant 0 : i32
    return %c0_i32, %c0_i32_0 : i32, i32
  }
  func.func @transform_3(%arg0: i32) -> (i32, i32) {
    %c0_i32 = arith.constant 0 : i32
    %c0_i32_0 = arith.constant 0 : i32
    %c0_i32_1 = arith.constant 0 : i32
    return %c0_i32, %c0_i32_0 : i32, i32
  }
  func.func @transform_4(%arg0: i32) -> (i32, i32) {
    %c0_i32 = arith.constant 0 : i32
    %c0_i32_0 = arith.constant 0 : i32
    %c0_i32_1 = arith.constant 0 : i32
    return %c0_i32, %c0_i32_0 : i32, i32
  }
  func.func @transform_5(%arg0: i32) -> (i32, i32) {
    %c0_i32 = arith.constant 0 : i32
    %c0_i32_0 = arith.constant 0 : i32
    %c0_i32_1 = arith.constant 0 : i32
    return %c0_i32, %c0_i32_0 : i32, i32
  }
  func.func @transform_6(%arg0: i32) -> (i32, i32) {
    %c0_i32 = arith.constant 0 : i32
    %c0_i32_0 = arith.constant 0 : i32
    %c0_i32_1 = arith.constant 0 : i32
    return %c0_i32, %c0_i32_0 : i32, i32
  }
  func.func @transform_7(%arg0: i32) -> (i32, i32) {
    %c0_i32 = arith.constant 0 : i32
    %c0_i32_0 = arith.constant 0 : i32
    %c0_i32_1 = arith.constant 0 : i32
    return %c0_i32, %c0_i32_0 : i32, i32
  }
  func.func @transform_8(%arg0: i32) -> (i32, i32) {
    %c0_i32 = arith.constant 0 : i32
    %c0_i32_0 = arith.constant 0 : i32
    %c0_i32_1 = arith.constant 0 : i32
    return %c0_i32, %c0_i32_0 : i32, i32
  }
  func.func @transform_9(%arg0: i32) -> (i32, i32) {
    %c0_i32 = arith.constant 0 : i32
    %c0_i32_0 = arith.constant 0 : i32
    %c0_i32_1 = arith.constant 0 : i32
    return %c0_i32, %c0_i32_0 : i32, i32
  }
  func.func @transform_10(%arg0: i32) -> (i32, i32) {
    %c0_i32 = arith.constant 0 : i32
    %c0_i32_0 = arith.constant 0 : i32
    %c0_i32_1 = arith.constant 0 : i32
    return %c0_i32, %c0_i32_0 : i32, i32
  }
  func.func @transform_11(%arg0: i32) -> (i32, i32) {
    %c0_i32 = arith.constant 0 : i32
    %c0_i32_0 = arith.constant 0 : i32
    %c0_i32_1 = arith.constant 0 : i32
    return %c0_i32, %c0_i32_0 : i32, i32
  }
  func.func @transform_12(%arg0: i32) -> (i32, i32) {
    %c0_i32 = arith.constant 0 : i32
    %c0_i32_0 = arith.constant 0 : i32
    %c0_i32_1 = arith.constant 0 : i32
    return %c0_i32, %c0_i32_0 : i32, i32
  }
  func.func @transform_13(%arg0: i32) -> (i32, i32) {
    %c0_i32 = arith.constant 0 : i32
    %c0_i32_0 = arith.constant 0 : i32
    %c0_i32_1 = arith.constant 0 : i32
    return %c0_i32, %c0_i32_0 : i32, i32
  }
  func.func @transform_14(%arg0: i32) -> (i32, i32) {
    %c0_i32 = arith.constant 0 : i32
    %c0_i32_0 = arith.constant 0 : i32
    return %arg0, %c0_i32 : i32, i32
  }
}

</mosaic_0001>

<sc_bundles>
// kernel: kernel.6.cloned.1.call-start
scs
__scs_entry_jumppad:
0x0: {  	(pc) =	sbr.rel $0x88, $3  }
0x1: {  	(tag) =	ssettag $0x0;
	lr =	simm.s32 $0x1  }
0x2: {  	[smem:$0x3F91] =	sst lr;
	_ =	strace $0xD0000000  }
0x3: {  	_ = 	snop  }
0x4: {  	_ = 	snop  }
0x5: {  	_ = 	snop  }
0x6: {  	_ = 	snop  }
0x7: {  	_ = 	snop  }
__scs_overlays_trampoline_lowered:
0x8: {  	[smem:$0x3FA0] =	sst s0  }
0x9: {  	[smem:$0x3FA1] =	sst s1  }
0xa: {  	[smem:$0x3FA2] =	sst s2  }
0xb: {  	[smem:$0x3FA3] =	sst s3  }
0xc: {  	[smem:$0x3FA4] =	sst s4  }
0xd: {  	[smem:$0x3FA5] =	sst s5  }
0xe: {  	[smem:$0x3FA6] =	sst s6  }
0xf: {  	[smem:$0x3FA7] =	sst s7  }
0x10: {  	[smem:$0x3FA8] =	sst s8  }
0x11: {  	[smem:$0x3FA9] =	sst s9;
	s0 =	simm.s32 @!p0 $0x0  }
0x12: {  	s1 =	sld [smem:$0x3F8F];
	s0 =	simm.s32 @p0 $0x1  }
0x13: {  	[smem:$0x3FAA] =	sst s0;
	s0 =	simm.s32 @!p1 $0x0  }
0x14: {  	s2 =	sld [smem:$0x3F8E];
	s0 =	simm.s32 @p1 $0x1  }
0x15: {  	[smem:$0x3FAB] =	sst s0;
	s0 =	simm.s32 @!p2 $0x0  }
0x16: {  	s3 =	sld [smem:$0x3FDB];
	s0 =	simm.s32 @p2 $0x1  }
0x17: {  	s4 =	simm.s32 $0x1BF5;
	[smem:$0x3FAD] =	sst s0  }
0x18: {  	s0 =	sld [smem:$0x3F90];
	_ =	swait.ge [sflag:s4], $0x0  }
0x19: {  	s7 =	sld [smem:$0x3F91]  }
0x1a: {  	s8 =	sadd.s32 $0xFFFFE003, lr  }
0x1b: {  	s9 =	sadd.s32 $0xFFFFFEF7, lr;
	s5 =	simm.s32 $0xFFFFFFFF;
	p2 =	slt.u32 s8, $0xFFFFF086  }
0x1c: {  	p1 =	slt.u32 s9, $0xF7A;
	s5 =	simm.s32 @!p2 $0x0  }
0x1d: {  	s5 =	simm.s32 @p1 $0x1;
	p0 =	seq.s32 s7, s2  }
0x1e: {  	s7 =	smul.u32 @!p0 $0xF7A, s2;
	p2 =	seq.s32 @!p0 s5, $0x0  }
0x1f: {  	s9 =	smul.u32 $0xF7A, s1;
	s8 =	simm.s32 @!p0 $0x1BF5;
	p2 =	por !p2, p0  }
0x20: {  	[sflag:s8] =	ssyncset.s32 @!p0 $0xFFFFF086;
	s6 =	sadd.s32 @!p0 s3, s7;
	s7 =	simm.s32 @!p0 $0x108  }
0x21: {  	s3 =	sadd.s32 s3, s9;
	s6 =	sadd.s32 @!p0 $0x88, s6;
	s7 =	simm.s32 @p2 $0x1082  }
0x22: {  	[simem:s7], [sflag:s8] =	dma.local @!p0 [hbm:s6], $0xF7A  }
0x23: {  	s9 =	sor.u32 $0xD0000000, s2;
	s6 =	simm.s32 $0x108;
	_ =	swait.ge @!p0 [sflag:s8], $0x0  }
0x24: {  	s3 =	sadd.s32 $0x88, s3;
	s6 =	simm.s32 @!p1 $0x1082;
	[sflag:s4] =	ssyncset.s32 $0xFFFFF086  }
0x25: {  	[simem:s6], [sflag:s4] =	dma.local [hbm:s3], $0xF7A  }
0x26: {  	[smem:$0x3F91] =	sst s1;
	(tag) =	ssettag s2;
	_ =	strace s9  }
0x27: {  	s1 =	sld [smem:$0x3FA1]  }
0x28: {  	s2 =	sld [smem:$0x3FA2]  }
0x29: {  	s4 =	sld [smem:$0x3FA4]  }
0x2a: {  	p0 =	seq.s32 s5, $0x0;
	s5 =	sld [smem:$0x3FA5]  }
0x2b: {  	s6 =	sld [smem:$0x3FA6]  }
0x2c: {  	s7 =	sld [smem:$0x3FA7]  }
0x2d: {  	s3 =	simm.s32 $0x108;
	s8 =	sld [smem:$0x3FA8]  }
0x2e: {  	s3 =	simm.s32 @!p0 $0x1082;
	s9 =	sld [smem:$0x3FA9]  }
0x2f: {  	lr =	sadd.s32 s0, s3;
	s0 =	sld [smem:$0x3FA0]  }
0x30: {  	s3 =	sld [smem:$0x3FA3]  }
0x31: {  	[smem:$0x3FAC] =	sst s10  }
0x32: {  	s10 =	sld [smem:$0x3FAA];
	_ =	sdelay $0x3  }
0x33: {  	p0 =	seq.s32 s10, $0x1;
	s10 =	sld [smem:$0x3FAC];
	_ =	sdelay $0x3  }
0x34: {  	[smem:$0x3FAC] =	sst s10  }
0x35: {  	s10 =	sld [smem:$0x3FAB];
	_ =	sdelay $0x3  }
0x36: {  	p1 =	seq.s32 s10, $0x1;
	s10 =	sld [smem:$0x3FAC];
	_ =	sdelay $0x3  }
0x37: {  	[smem:$0x3FAC] =	sst s10  }
0x38: {  	s10 =	sld [smem:$0x3FAD]  }
0x39: {  	_ = 	snop;
	(pc) =	sbr.ind lr, $3  }
0x3a: {  	_ = 	snop  }
0x3b: {  	_ = 	snop  }
0x3c: {  	p2 =	seq.s32 s10, $0x1;
	s10 =	sld [smem:$0x3FAC]  }
0x3d: {  	_ =	shalt  }
0x3e: {  	_ =	shalt  }
0x3f: {  	_ =	shalt  }
0x40: {  	_ =	shalt  }
0x41: {  	_ =	shalt  }
0x42: {  	_ =	shalt  }
0x43: {  	_ =	shalt  }
0x44: {  	_ =	shalt  }
0x45: {  	_ =	shalt  }
0x46: {  	_ =	shalt  }
0x47: {  	_ =	shalt  }
0x48: {  	_ =	shalt  }
0x49: {  	_ =	shalt  }
0x4a: {  	_ =	shalt  }
0x4b: {  	_ =	shalt  }
0x4c: {  	_ =	shalt  }
0x4d: {  	_ =	shalt  }
0x4e: {  	_ =	shalt  }
0x4f: {  	_ =	shalt  }
0x50: {  	_ =	shalt  }
0x51: {  	_ =	shalt  }
0x52: {  	_ =	shalt  }
0x53: {  	_ =	shalt  }
0x54: {  	_ =	shalt  }
0x55: {  	_ =	shalt  }
0x56: {  	_ =	shalt  }
0x57: {  	_ =	shalt  }
0x58: {  	_ =	shalt  }
0x59: {  	_ =	shalt  }
0x5a: {  	_ =	shalt  }
0x5b: {  	_ =	shalt  }
0x5c: {  	_ =	shalt  }
0x5d: {  	_ =	shalt  }
0x5e: {  	_ =	shalt  }
0x5f: {  	_ =	shalt  }
0x60: {  	_ =	shalt  }
0x61: {  	_ =	shalt  }
0x62: {  	_ =	shalt  }
0x63: {  	_ =	shalt  }
0x64: {  	_ =	shalt  }
0x65: {  	_ =	shalt  }
0x66: {  	_ =	shalt  }
0x67: {  	_ =	shalt  }
0x68: {  	_ =	shalt  }
0x69: {  	_ =	shalt  }
0x6a: {  	_ =	shalt  }
0x6b: {  	_ =	shalt  }
0x6c: {  	_ =	shalt  }
0x6d: {  	_ =	shalt  }
0x6e: {  	_ =	shalt  }
0x6f: {  	_ =	shalt  }
0x70: {  	_ =	shalt  }
0x71: {  	_ =	shalt  }
0x72: {  	_ =	shalt  }
0x73: {  	_ =	shalt  }
0x74: {  	_ =	shalt  }
0x75: {  	_ =	shalt  }
0x76: {  	_ =	shalt  }
0x77: {  	_ =	shalt  }
0x78: {  	_ =	shalt  }
0x79: {  	_ =	shalt  }
0x7a: {  	_ =	shalt  }
0x7b: {  	_ =	shalt  }
0x7c: {  	_ =	shalt  }
0x7d: {  	_ =	shalt  }
0x7e: {  	_ =	shalt  }
0x7f: {  	_ =	shalt  }
0x80: {  	_ =	shalt  }
0x81: {  	_ =	shalt  }
0x82: {  	_ =	shalt  }
0x83: {  	_ =	shalt  }
0x84: {  	_ =	shalt  }
0x85: {  	_ =	shalt  }
0x86: {  	_ =	shalt  }
0x87: {  	_ =	shalt  }
.Lfunc_end0:
.L_simem_size_0:
called_computation_lowered:
.L_overlay_start_0:
0x88: {  	s2 =	sld [smem:$0x3FD9]  }
0x89: {  	s3 =	sld [smem:$0x3FFE];
	_ =	sdelay $0x1  }
0x8a: {  	s1 =	srdreg.scid  }
0x8b: {  	s0 =	sand.u32 $0x1, s1  }
0x8c: {  	s17 =	sshll.u32 s0, $0xA;
	s2 =	sadd.s32 s3, s2  }
0x8d: {  	s2 =	sadd.s32 s2, s17  }
0x8e: {  	[smem:$0x3FB8] =	sst s2  }
0x8f: {  	_ = 	snop  }
0x90: {  	s2 =	sld [smem:$0x3FC9];
	(tm) =	ssettm $0x1  }
0x91: {  	s18 =	sld [smem:$0x3FFB];
	_ =	sdelay $0x3  }
0x92: {  	_ =	strace s18  }
0x93: {  	s3 =	sld [smem:$0x3FFC];
	_ =	sdelay $0x3  }
0x94: {  	_ =	strace s3  }
0x95: {  	s3 =	sld [smem:$0x3FFD];
	_ =	sdelay $0x3  }
0x96: {  	_ =	strace s3  }
0x97: {  	_ =	strace $0x8FFFFFFF  }
0x98: {  	s19 =	sld [smem:$0x3FDB];
	_ =	sdelay $0x1  }
0x99: {  	s4 =	simm.s32 $_scs_section_size  }
0x9a: {  	s5 =	simm.s32 $_size__tile_overlayer_lowered;
	s6 =	simm.s32 $_tile_overlayer_lowered  }
0x9b: {  	s22 =	simm.s32 $0x1BFF;
	s21 =	sshll.u32 s6, $0x1;
	s3 =	sadd.s32 s4, s19  }
0x9c: {  	s7 =	simm.s32 $0x0;
	s20 =	sshll.u32 s5, $0x1;
	s5 =	sadd.s32 s21, s3  }
0x9d: {  	[timem:s7], [sflag:s22] =	dma.local [hbm:s5], s20  }
0x9e: {  	_ =	swait.ge [sflag:s22], s20  }
0x9f: {  	s4 =	ssub.s32 $0x0, s20;
	[sflag:s22] =	ssyncset.done $0x0  }
0xa0: {  	[sflag:s22] =	ssyncadd.s32 s4;
	_ =	sdelay $0x1  }
0xa1: {  	s23 =	simm.s32 $0x1B8B  }
0xa2: {  	_ =	swait.ge [sflag:s23], $0x1  }
0xa3: {  	[sflag:s23] =	ssyncset.done $0x0  }
0xa4: {  	s25 =	simm.s32 $0x1B8E;
	s24 =	sld [smem:$0x3FFE];
	[sflag:s23] =	ssyncadd.s32 $0xFFFFFFFF  }
0xa5: {  	s26 =	simm.s32 $execute0_lowered;
	[smem:$0x3FD2] =	sst s25  }
0xa6: {  	s5 =	sshll.u32 s26, $0x1;
	_ =	strace $0x80000046;
	[dreg:$0x1] =	wrdreg $0xFFFFFFFF  }
0xa7: {  	s28 =	simm.s32 $_size_execute0_lowered;
	s3 =	sadd.s32 s3, s5;
	[dreg:$0x0] =	wrdreg $0x0  }
0xa8: {  	s5 =	sshll.u32 s28, $0x1;
	[dreg:$0x2] =	wrdreg s3  }
0xa9: {  	[dreg:$0x3] =	wrdreg s5  }
0xaa: {  	[dreg:$0x4] =	wrdreg $0xC0  }
0xab: {  	_ =	task [dreg:s7], $0x5FFFF  }
0xac: {  	[dreg:$0x1] =	wrdreg $0xFFFFFFFF  }
0xad: {  	[dreg:$0x0] =	wrdreg $0x60  }
0xae: {  	[dreg:$0x2] =	wrdreg s2  }
0xaf: {  	[dreg:$0x3] =	wrdreg s24  }
0xb0: {  	[dreg:$0x4] =	wrdreg $0xA8000  }
0xb1: {  	[dreg:$0x5] =	wrdreg $0x9  }
0xb2: {  	_ =	task.clear_ibuf [dreg:s7], $0x6FFFF;
	_ =	strace $0x90000046  }
0xb3: {  	s29 =	simm.s32 $0x9;
	_ =	strace $0x80000048  }
0xb4: {  	_ =	swait.ge [sflag:s29], $0x1  }
0xb5: {  	[sflag:s29] =	ssyncadd.s32 $0xFFFFFFFF  }
0xb6: {  	_ =	strace $0x90000048  }
0xb7: {  	_ =	sfence  }
0xb8: {  	s30 =	sld [smem:$0x0];
	_ =	sdelay $0x2  }
0xb9: {  	s31 =	sshll.u32 s1, $0xD;
	s1 =	sshrl.u32 s1, $0x2  }
0xba: {  	s3 =	sand.u32 $0x4000, s31;
	s1 =	sadd.s32 s1, s30  }
0xbb: {  	s0 =	sor.u32 s3, s0;
	s1 =	sshll.u32 s1, $0x11  }
0xbc: {  	s0 =	sor.u32 s1, s0  }
0xbd: {  	s0 =	sadd.s32 $0x8F2B, s0  }
0xbe: {  	[sflag:s0] =	ssyncadd.remote.s32 $0x1  }
0xbf: {  	_ =	sfence.sel $0xFFFF  }
0xc0: {  	[dreg:$0x0] =	wrdreg $0xFFFFFFFF;
	(pc) =	sbr.abs _section_cstart, $3  }
0xc1: {  	[dreg:$0x1] =	wrdreg $0xFFFFFFFF  }
0xc2: {  	_ =	task.clear_ibuf [dreg:s7], $0x2FFFF;
	_ =	strace $0x9FFFFFFF  }
0xc3: {  	(tm) =	ssettm $0x7FFFFFFF  }
tec
execute0_lowered:
.L_overlay_start_1:
0x0: {  	(tag) =	ssettag $0x1  }
0x1: {  	s2 =	rddreg [dreg:$0x0]  }
0x2: {  	s5 =	rddreg [dreg:$0x1]  }
0x3: {  	s3 =	rddreg [dreg:$0x2]  }
0x4: {  	s0 =	rddreg [dreg:$0x3];
	s1 =	stileid.u32  }
0x5: {  	s6 =	srdreg.scid;
	s4 =	simm.s32 $0x0;
	s16 =	simm.s32 $0x80  }
0x6: {  	s17 =	simm.s32 $0x2800;
	s18 =	simm.s32 $0x6800;
	s19 =	simm.s32 $0x1  }
0x7: {  	s20 =	simm.s32 $0x2;
	s21 =	simm.s32 $0x2700;
	s22 =	simm.s32 $0x2780  }
0x8: {  	s23 =	simm.s32 $0x0;
	s7 =	smul.u32 $0x13C00, s1;
	s6 =	sand.u32 $0x1, s6  }
0x9: {  	[smem:$0x7FF] =	sst s4;
	s9 =	sadd.s32 $0xCC00, s5;
	s25 =	smul.u32 $0x4F000, s1  }
0xa: {  	s11 =	sadd.s32 $0x2C00, s5;
	s30 =	sshll.u32 s1, $0x6;
	s8 =	smul.u32 $0x13C000, s6  }
0xb: {  	_ =	strace $0x80000047;
	s12 =	sshll.u32 s6, $0x4;
	s26 =	ssub.s32 $0x2, s6  }
0xc: {  	s6 =	sor.u32 $0x1C03, s30;
	s10 =	sshrl.u32 s7, $0x3;
	s28 =	sor.u32 s1, s12  }
0xd: {  	s29 =	sshrl.u32 s26, $0x1;
	s10 =	sadd.s32 s10, s5;
	s7 =	sadd.s32 s7, s8  }
0xe: {  	s8 =	sshrl.u32 s25, $0x2;
	s12 =	smul.u32 $0x2800, s28;
	s7 =	sshrl.u32 s7, $0x3  }
0xf: {  	s14 =	ssub.s32 s26, s29;
	s15 =	sadd.s32 s8, s3;
	s13 =	sadd.s32 s7, s5  }
0x10: {  	s5 =	sadd.s32 $0x16C00, s10;
	s31 =	sshrl.u32 s12, $0x3;
	s12 =	smax.u32 s14, $0x1  }
0x11: {  	s14 =	simm.s32 $0x3;
	s7 =	sadd.s32 s9, s31;
	s10 =	sadd.s32 $0x280, s31  }
0x12: {  	s8 =	sadd.s32 s11, s31;
	s9 =	sadd.s32 s9, s10;
	s10 =	sadd.s32 s11, s10  }
0x13: {  	s11 =	sadd.s32 $0x3E400, s13;
	s13 =	sshrl.u32 s15, $0x3;
	s15 =	simm.s32 $0x1400  }
.LBB2_1:
0x14: {  	[spmem:s13], [sflag:s6] =	dma.local [hbm:s5], $0x2780  }
0x15: {  	_ =	swait.ge [sflag:s14], $0x2780  }
0x16: {  	[sflag:s14] =	ssyncset.done $0x0  }
0x17: {  	[sflag:s14] =	ssyncadd.s32 $0xFFFFD880  }
0x18: {  	[bflag:$0x0] =	sbarrier.arrive $0xFFFF  }
0x19: {  	[tilespmem:s4], [sflag:$0x3] =	stream.linear.gather [hbm4b:s7+s4], $0x1400, $0x38;
	[tilespmem:$0x1E400] =	vst v63  }
0x1a: {  	_ =	swait.ge [sflag:s14], $0x1400  }
0x1b: {  	[sflag:s14] =	ssyncset.done $0x0  }
0x1c: {  	[sflag:s14] =	ssyncadd.s32 $0xFFFFEC00  }
0x1d: {  	[tilespmem:s15], [sflag:$0x3] =	stream.linear.gather [hbm4b:s8+s4], $0x1400, $0x38;
	[tilespmem:$0x1E400] =	vst v63  }
0x1e: {  	_ =	swait.ge [sflag:s14], $0x1400  }
0x1f: {  	[sflag:s14] =	ssyncset.done $0x0  }
0x20: {  	[sflag:s14] =	ssyncadd.s32 $0xFFFFEC00  }
0x21: {  	[tilespmem:s17], [sflag:$0x1] =	stream.indirect.gather [hbm4b:s2+s16], $0x80, s4, s16, $0xb8;
	[tilespmem:$0x1E400] =	vst v63  }
0x22: {  	_ = 	snop  }
0x23: {  	[tilespmem:s18], [sflag:$0x2] =	stream.indirect.gather [hbm4b:s2+s16], $0x80, s16, s16, $0xb8;
	[tilespmem:$0x1E400] =	vst v63  }
0x24: {  	_ =	swait.ge [sflag:s19], $0x4000  }
0x25: {  	[sflag:s19] =	ssyncset.done $0x0  }
0x26: {  	s24 =	simm.s32 $0x1400;
	[sflag:s19] =	ssyncadd.s32 $0xFFFFC000  }
0x27: {  	[spmem:s3] =	stream.indirect.scatter.add.f32 [tilespmem:s17], [sflag:$0x3], $0x80, s24, s16, $0xb8;
	[tilespmem:$0x1E400] =	vst v63  }
0x28: {  	_ =	swait.ge [sflag:s14], $0x4000  }
0x29: {  	[sflag:s14] =	ssyncset.done $0x0  }
0x2a: {  	s30 =	simm.s32 $0x100;
	[sflag:s14] =	ssyncadd.s32 $0xFFFFC000  }
0x2b: {  	[tilespmem:s17], [sflag:$0x1] =	stream.indirect.gather [hbm4b:s2+s16], $0x80, s30, s16, $0xb8;
	[tilespmem:$0x1E400] =	vst v63  }
0x2c: {  	_ =	swait.ge [sflag:s20], $0x4000  }
0x2d: {  	[sflag:s20] =	ssyncset.done $0x0  }
0x2e: {  	s31 =	simm.s32 $0x1480;
	[sflag:s20] =	ssyncadd.s32 $0xFFFFC000  }
0x2f: {  	[spmem:s3] =	stream.indirect.scatter.add.f32 [tilespmem:s18], [sflag:$0x3], $0x80, s31, s16, $0xb8;
	[tilespmem:$0x1E400] =	vst v63  }
0x30: {  	_ =	swait.ge [sflag:s14], $0x4000  }
0x31: {  	[sflag:s14] =	ssyncset.done $0x0  }
0x32: {  	s25 =	simm.s32 $0x180;
	s24 =	simm.s32 $0x400;
	[sflag:s14] =	ssyncadd.s32 $0xFFFFC000  }
.LBB2_2:
0x33: {  	[tilespmem:s18], [sflag:$0x2] =	stream.indirect.gather [hbm4b:s2+s16], $0x80, s25, s16, $0xb8;
	[tilespmem:$0x1E400] =	vst v63  }
0x34: {  	s25 =	smov.u32 s24  }
0x35: {  	p0 =	sne.s32 s24, $0x4800;
	s24 =	sadd.s32 $0x400, s24;
	_ =	swait.ge [sflag:s19], $0x4000  }
0x36: {  	s25 =	sshra.s32 s25, $0x2;
	[sflag:s19] =	ssyncset.done $0x0  }
0x37: {  	s26 =	sadd.s32 $0x1400, s25;
	[sflag:s19] =	ssyncadd.s32 $0xFFFFC000  }
0x38: {  	[spmem:s3] =	stream.indirect.scatter.add.f32 [tilespmem:s17], [sflag:$0x3], $0x80, s26, s16, $0xb8;
	[tilespmem:$0x1E400] =	vst v63  }
0x39: {  	_ =	swait.ge [sflag:s14], $0x4000  }
0x3a: {  	[sflag:s14] =	ssyncset.done $0x0  }
0x3b: {  	s26 =	sadd.s32 $0x100, s25;
	[sflag:s14] =	ssyncadd.s32 $0xFFFFC000  }
0x3c: {  	[tilespmem:s17], [sflag:$0x1] =	stream.indirect.gather [hbm4b:s2+s16], $0x80, s26, s16, $0xb8;
	[tilespmem:$0x1E400] =	vst v63  }
0x3d: {  	_ =	swait.ge [sflag:s20], $0x4000  }
0x3e: {  	[sflag:s20] =	ssyncset.done $0x0  }
.Ltmp0:
0x3f: {  	s26 =	sadd.s32 $0x1480, s25;
	[sflag:s20] =	ssyncadd.s32 $0xFFFFC000;
	(pc) =	sbr.rel @p0 .LBB2_2-.Ltmp0, $4  }
0x40: {  	[spmem:s3] =	stream.indirect.scatter.add.f32 [tilespmem:s18], [sflag:$0x3], $0x80, s26, s16, $0xb8;
	[tilespmem:$0x1E400] =	vst v63  }
0x41: {  	_ =	swait.ge [sflag:s14], $0x4000  }
0x42: {  	[sflag:s14] =	ssyncset.done $0x0  }
0x43: {  	s25 =	sadd.s32 $0x180, s25;
	[sflag:s14] =	ssyncadd.s32 $0xFFFFC000  }
0x44: {  	[tilespmem:s18], [sflag:$0x2] =	stream.indirect.gather [hbm4b:s2+s16], $0x80, s25, s16, $0xb8;
	[tilespmem:$0x1E400] =	vst v63  }
0x45: {  	_ =	swait.ge [sflag:s19], $0x4000  }
0x46: {  	[sflag:s19] =	ssyncset.done $0x0  }
0x47: {  	[sflag:s19] =	ssyncadd.s32 $0xFFFFC000  }
0x48: {  	[spmem:s3] =	stream.indirect.scatter.add.f32 [tilespmem:s17], [sflag:$0x3], $0x80, s21, s16, $0xb8;
	[tilespmem:$0x1E400] =	vst v63  }
0x49: {  	_ =	swait.ge [sflag:s14], $0x4000  }
0x4a: {  	[sflag:s14] =	ssyncset.done $0x0  }
0x4b: {  	[sflag:s14] =	ssyncadd.s32 $0xFFFFC000  }
0x4c: {  	_ =	swait.ge [sflag:s20], $0x4000  }
0x4d: {  	[sflag:s20] =	ssyncset.done $0x0  }
0x4e: {  	[sflag:s20] =	ssyncadd.s32 $0xFFFFC000  }
0x4f: {  	[spmem:s3] =	stream.indirect.scatter.add.f32 [tilespmem:s18], [sflag:$0x3], $0x80, s22, s16, $0xb8;
	[tilespmem:$0x1E400] =	vst v63  }
0x50: {  	_ =	swait.ge [sflag:s14], $0x4000  }
0x51: {  	[sflag:s14] =	ssyncset.done $0x0  }
0x52: {  	s24 =	simm.s32 $0x0;
	[sflag:s14] =	ssyncadd.s32 $0xFFFFC000  }
0x53: {  	[tilespmem:s24], [sflag:$0x3] =	stream.linear.gather [hbm4b:s9+s24], $0x1400, $0x38;
	[tilespmem:$0x1E400] =	vst v63  }
0x54: {  	_ =	swait.ge [sflag:s14], $0x1400  }
0x55: {  	[sflag:s14] =	ssyncset.done $0x0  }
0x56: {  	[sflag:s14] =	ssyncadd.s32 $0xFFFFEC00  }
0x57: {  	[tilespmem:s15], [sflag:$0x3] =	stream.linear.gather [hbm4b:s10+s24], $0x1400, $0x38;
	[tilespmem:$0x1E400] =	vst v63  }
0x58: {  	_ =	swait.ge [sflag:s14], $0x1400  }
0x59: {  	[sflag:s14] =	ssyncset.done $0x0  }
0x5a: {  	[sflag:s14] =	ssyncadd.s32 $0xFFFFEC00  }
0x5b: {  	[tilespmem:s17], [sflag:$0x1] =	stream.indirect.gather [hbm4b:s2+s16], $0x80, s24, s16, $0xb8;
	[tilespmem:$0x1E400] =	vst v63  }
0x5c: {  	_ = 	snop  }
0x5d: {  	[tilespmem:s18], [sflag:$0x2] =	stream.indirect.gather [hbm4b:s2+s16], $0x80, s16, s16, $0xb8;
	[tilespmem:$0x1E400] =	vst v63  }
0x5e: {  	_ =	swait.ge [sflag:s19], $0x4000  }
0x5f: {  	[sflag:s19] =	ssyncset.done $0x0  }
0x60: {  	s29 =	simm.s32 $0x1400;
	[sflag:s19] =	ssyncadd.s32 $0xFFFFC000  }
0x61: {  	[spmem:s3] =	stream.indirect.scatter.add.f32 [tilespmem:s17], [sflag:$0x3], $0x80, s29, s16, $0xb8;
	[tilespmem:$0x1E400] =	vst v63  }
0x62: {  	_ =	swait.ge [sflag:s14], $0x4000  }
0x63: {  	[sflag:s14] =	ssyncset.done $0x0  }
0x64: {  	s30 =	simm.s32 $0x100;
	[sflag:s14] =	ssyncadd.s32 $0xFFFFC000  }
0x65: {  	[tilespmem:s17], [sflag:$0x1] =	stream.indirect.gather [hbm4b:s2+s16], $0x80, s30, s16, $0xb8;
	[tilespmem:$0x1E400] =	vst v63  }
0x66: {  	_ =	swait.ge [sflag:s20], $0x4000  }
0x67: {  	[sflag:s20] =	ssyncset.done $0x0  }
0x68: {  	s31 =	simm.s32 $0x1480;
	[sflag:s20] =	ssyncadd.s32 $0xFFFFC000  }
0x69: {  	[spmem:s3] =	stream.indirect.scatter.add.f32 [tilespmem:s18], [sflag:$0x3], $0x80, s31, s16, $0xb8;
	[tilespmem:$0x1E400] =	vst v63  }
0x6a: {  	_ =	swait.ge [sflag:s14], $0x4000  }
0x6b: {  	[sflag:s14] =	ssyncset.done $0x0  }
0x6c: {  	s25 =	simm.s32 $0x180;
	s24 =	simm.s32 $0x400;
	[sflag:s14] =	ssyncadd.s32 $0xFFFFC000  }
.LBB2_4:
0x6d: {  	[tilespmem:s18], [sflag:$0x2] =	stream.indirect.gather [hbm4b:s2+s16], $0x80, s25, s16, $0xb8;
	[tilespmem:$0x1E400] =	vst v63  }
0x6e: {  	s25 =	smov.u32 s24  }
0x6f: {  	p0 =	sne.s32 s24, $0x4800;
	s24 =	sadd.s32 $0x400, s24;
	_ =	swait.ge [sflag:s19], $0x4000  }
0x70: {  	s25 =	sshra.s32 s25, $0x2;
	[sflag:s19] =	ssyncset.done $0x0  }
0x71: {  	s26 =	sadd.s32 $0x1400, s25;
	[sflag:s19] =	ssyncadd.s32 $0xFFFFC000  }
0x72: {  	[spmem:s3] =	stream.indirect.scatter.add.f32 [tilespmem:s17], [sflag:$0x3], $0x80, s26, s16, $0xb8;
	[tilespmem:$0x1E400] =	vst v63  }
0x73: {  	_ =	swait.ge [sflag:s14], $0x4000  }
0x74: {  	[sflag:s14] =	ssyncset.done $0x0  }
0x75: {  	s26 =	sadd.s32 $0x100, s25;
	[sflag:s14] =	ssyncadd.s32 $0xFFFFC000  }
0x76: {  	[tilespmem:s17], [sflag:$0x1] =	stream.indirect.gather [hbm4b:s2+s16], $0x80, s26, s16, $0xb8;
	[tilespmem:$0x1E400] =	vst v63  }
0x77: {  	_ =	swait.ge [sflag:s20], $0x4000  }
0x78: {  	[sflag:s20] =	ssyncset.done $0x0  }
.Ltmp1:
0x79: {  	s26 =	sadd.s32 $0x1480, s25;
	[sflag:s20] =	ssyncadd.s32 $0xFFFFC000;
	(pc) =	sbr.rel @p0 .LBB2_4-.Ltmp1, $4  }
0x7a: {  	[spmem:s3] =	stream.indirect.scatter.add.f32 [tilespmem:s18], [sflag:$0x3], $0x80, s26, s16, $0xb8;
	[tilespmem:$0x1E400] =	vst v63  }
0x7b: {  	_ =	swait.ge [sflag:s14], $0x4000  }
0x7c: {  	[sflag:s14] =	ssyncset.done $0x0  }
0x7d: {  	s25 =	sadd.s32 $0x180, s25;
	[sflag:s14] =	ssyncadd.s32 $0xFFFFC000  }
0x7e: {  	[tilespmem:s18], [sflag:$0x2] =	stream.indirect.gather [hbm4b:s2+s16], $0x80, s25, s16, $0xb8;
	[tilespmem:$0x1E400] =	vst v63  }
0x7f: {  	_ =	swait.ge [sflag:s19], $0x4000  }
0x80: {  	[sflag:s19] =	ssyncset.done $0x0  }
0x81: {  	[sflag:s19] =	ssyncadd.s32 $0xFFFFC000  }
0x82: {  	[spmem:s3] =	stream.indirect.scatter.add.f32 [tilespmem:s17], [sflag:$0x3], $0x80, s21, s16, $0xb8;
	[tilespmem:$0x1E400] =	vst v63  }
0x83: {  	_ =	swait.ge [sflag:s14], $0x4000  }
0x84: {  	[sflag:s14] =	ssyncset.done $0x0  }
0x85: {  	[sflag:s14] =	ssyncadd.s32 $0xFFFFC000  }
0x86: {  	_ =	swait.ge [sflag:s20], $0x4000  }
0x87: {  	[sflag:s20] =	ssyncset.done $0x0  }
0x88: {  	[sflag:s20] =	ssyncadd.s32 $0xFFFFC000  }
0x89: {  	[spmem:s3] =	stream.indirect.scatter.add.f32 [tilespmem:s18], [sflag:$0x3], $0x80, s22, s16, $0xb8;
	[tilespmem:$0x1E400] =	vst v63  }
0x8a: {  	_ =	swait.ge [sflag:s14], $0x4000  }
0x8b: {  	s23 =	sadd.s32 $0x1, s23;
	[sflag:s14] =	ssyncset.done $0x0  }
0x8c: {  	p0 =	sne.s32 s23, s12;
	[sflag:s14] =	ssyncadd.s32 $0xFFFFC000  }
.Ltmp2:
0x8d: {  	[bflag:$0x0] =	sbarrier.arrive $0xFFFF;
	(pc) =	sbr.rel @p0 .LBB2_1-.Ltmp2, $4  }
0x8e: {  	[hbm:s11], [sflag:s6] =	dma.local [spmem:s13], $0x2780  }
0x8f: {  	_ =	swait.ge [sflag:s14], $0x2780  }
0x90: {  	[sflag:s14] =	ssyncset.done $0x0  }
0x91: {  	[sflag:s14] =	ssyncadd.s32 $0xFFFFD880  }
0x92: {  	_ =	sfence.sel $0x180000  }
0x93: {  	[bflag:$0x0] =	sbarrier.arrive $0xFFFF  }
0x94: {  	p0 =	sne.s32 s1, $0x0;
	_ =	strace $0x90000047  }
0x95: {  	s0 =	sadd.s32 @!p0 $0x100000, s0;
	[bflag:$0x2] =	sbarrier.arrive $0xFFFF  }
0x96: {  	[sflag:s0] =	ssyncadd.tile.s32 @!p0 $0x1;
	_ =	shalt  }
.Lfunc_end2:
_tile_overlayer_lowered:
.L_overlay_start_2:
0x97: {  	(tag) =	ssettag $0x2  }
0x98: {  	s0 =	rddreg [dreg:$0x0];
	s2 =	stileid.u32  }
0x99: {  	s1 =	rddreg [dreg:$0x1];
	p0 =	sne.s32 s2, $0x0  }
0x9a: {  	s3 =	rddreg [dreg:$0x2];
	[bflag:$0x3] =	sbarrier.arrive $0xFFFF;
	s2 =	simm.s32 @!p0 $0x1C03  }
0x9b: {  	[timem:s3], [sflag:s2] =	dma.local @!p0 [hbm:s0], s1  }
0x9c: {  	s0 =	simm.s32 @!p0 $0x3  }
0x9d: {  	_ =	swait.ge @!p0 [sflag:s0], s1  }
0x9e: {  	s1 =	ssub.s32 @!p0 $0x0, s1;
	[sflag:s0] =	ssyncset.done @!p0 $0x0  }
0x9f: {  	[sflag:s0] =	ssyncadd.s32 @!p0 s1  }
0xa0: {  	[bflag:$0x3] =	sbarrier.arrive $0xFFFF  }
0xa1: {  	_ =	shalt  }

// kernel: kernel.9.cloned.1.call-start
scs
__scs_entry_jumppad:
0x0: {  	(pc) =	sbr.rel $0x88, $3  }
0x1: {  	(tag) =	ssettag $0x0;
	lr =	simm.s32 $0x1  }
0x2: {  	[smem:$0x3F91] =	sst lr;
	_ =	strace $0xD0000000  }
0x3: {  	_ = 	snop  }
0x4: {  	_ = 	snop  }
0x5: {  	_ = 	snop  }
0x6: {  	_ = 	snop  }
0x7: {  	_ = 	snop  }
__scs_overlays_trampoline_lowered:
0x8: {  	[smem:$0x3FA0] =	sst s0  }
0x9: {  	[smem:$0x3FA1] =	sst s1  }
0xa: {  	[smem:$0x3FA2] =	sst s2  }
0xb: {  	[smem:$0x3FA3] =	sst s3  }
0xc: {  	[smem:$0x3FA4] =	sst s4  }
0xd: {  	[smem:$0x3FA5] =	sst s5  }
0xe: {  	[smem:$0x3FA6] =	sst s6  }
0xf: {  	[smem:$0x3FA7] =	sst s7  }
0x10: {  	[smem:$0x3FA8] =	sst s8  }
0x11: {  	[smem:$0x3FA9] =	sst s9;
	s0 =	simm.s32 @!p0 $0x0  }
0x12: {  	s1 =	sld [smem:$0x3F8F];
	s0 =	simm.s32 @p0 $0x1  }
0x13: {  	[smem:$0x3FAA] =	sst s0;
	s0 =	simm.s32 @!p1 $0x0  }
0x14: {  	s2 =	sld [smem:$0x3F8E];
	s0 =	simm.s32 @p1 $0x1  }
0x15: {  	[smem:$0x3FAB] =	sst s0;
	s0 =	simm.s32 @!p2 $0x0  }
0x16: {  	s3 =	sld [smem:$0x3FDB];
	s0 =	simm.s32 @p2 $0x1  }
0x17: {  	s4 =	simm.s32 $0x1BF5;
	[smem:$0x3FAD] =	sst s0  }
0x18: {  	s0 =	sld [smem:$0x3F90];
	_ =	swait.ge [sflag:s4], $0x0  }
0x19: {  	s7 =	sld [smem:$0x3F91]  }
0x1a: {  	s8 =	sadd.s32 $0xFFFFE003, lr  }
0x1b: {  	s9 =	sadd.s32 $0xFFFFFEF7, lr;
	s5 =	simm.s32 $0xFFFFFFFF;
	p2 =	slt.u32 s8, $0xFFFFF086  }
0x1c: {  	p1 =	slt.u32 s9, $0xF7A;
	s5 =	simm.s32 @!p2 $0x0  }
0x1d: {  	s5 =	simm.s32 @p1 $0x1;
	p0 =	seq.s32 s7, s2  }
0x1e: {  	s7 =	smul.u32 @!p0 $0xF7A, s2;
	p2 =	seq.s32 @!p0 s5, $0x0  }
0x1f: {  	s9 =	smul.u32 $0xF7A, s1;
	s8 =	simm.s32 @!p0 $0x1BF5;
	p2 =	por !p2, p0  }
0x20: {  	[sflag:s8] =	ssyncset.s32 @!p0 $0xFFFFF086;
	s6 =	sadd.s32 @!p0 s3, s7;
	s7 =	simm.s32 @!p0 $0x108  }
0x21: {  	s3 =	sadd.s32 s3, s9;
	s6 =	sadd.s32 @!p0 $0x88, s6;
	s7 =	simm.s32 @p2 $0x1082  }
0x22: {  	[simem:s7], [sflag:s8] =	dma.local @!p0 [hbm:s6], $0xF7A  }
0x23: {  	s9 =	sor.u32 $0xD0000000, s2;
	s6 =	simm.s32 $0x108;
	_ =	swait.ge @!p0 [sflag:s8], $0x0  }
0x24: {  	s3 =	sadd.s32 $0x88, s3;
	s6 =	simm.s32 @!p1 $0x1082;
	[sflag:s4] =	ssyncset.s32 $0xFFFFF086  }
0x25: {  	[simem:s6], [sflag:s4] =	dma.local [hbm:s3], $0xF7A  }
0x26: {  	[smem:$0x3F91] =	sst s1;
	(tag) =	ssettag s2;
	_ =	strace s9  }
0x27: {  	s1 =	sld [smem:$0x3FA1]  }
0x28: {  	s2 =	sld [smem:$0x3FA2]  }
0x29: {  	s4 =	sld [smem:$0x3FA4]  }
0x2a: {  	p0 =	seq.s32 s5, $0x0;
	s5 =	sld [smem:$0x3FA5]  }
0x2b: {  	s6 =	sld [smem:$0x3FA6]  }
0x2c: {  	s7 =	sld [smem:$0x3FA7]  }
0x2d: {  	s3 =	simm.s32 $0x108;
	s8 =	sld [smem:$0x3FA8]  }
0x2e: {  	s3 =	simm.s32 @!p0 $0x1082;
	s9 =	sld [smem:$0x3FA9]  }
0x2f: {  	lr =	sadd.s32 s0, s3;
	s0 =	sld [smem:$0x3FA0]  }
0x30: {  	s3 =	sld [smem:$0x3FA3]  }
0x31: {  	[smem:$0x3FAC] =	sst s10  }
0x32: {  	s10 =	sld [smem:$0x3FAA];
	_ =	sdelay $0x3  }
0x33: {  	p0 =	seq.s32 s10, $0x1;
	s10 =	sld [smem:$0x3FAC];
	_ =	sdelay $0x3  }
0x34: {  	[smem:$0x3FAC] =	sst s10  }
0x35: {  	s10 =	sld [smem:$0x3FAB];
	_ =	sdelay $0x3  }
0x36: {  	p1 =	seq.s32 s10, $0x1;
	s10 =	sld [smem:$0x3FAC];
	_ =	sdelay $0x3  }
0x37: {  	[smem:$0x3FAC] =	sst s10  }
0x38: {  	s10 =	sld [smem:$0x3FAD]  }
0x39: {  	_ = 	snop;
	(pc) =	sbr.ind lr, $3  }
0x3a: {  	_ = 	snop  }
0x3b: {  	_ = 	snop  }
0x3c: {  	p2 =	seq.s32 s10, $0x1;
	s10 =	sld [smem:$0x3FAC]  }
0x3d: {  	_ =	shalt  }
0x3e: {  	_ =	shalt  }
0x3f: {  	_ =	shalt  }
0x40: {  	_ =	shalt  }
0x41: {  	_ =	shalt  }
0x42: {  	_ =	shalt  }
0x43: {  	_ =	shalt  }
0x44: {  	_ =	shalt  }
0x45: {  	_ =	shalt  }
0x46: {  	_ =	shalt  }
0x47: {  	_ =	shalt  }
0x48: {  	_ =	shalt  }
0x49: {  	_ =	shalt  }
0x4a: {  	_ =	shalt  }
0x4b: {  	_ =	shalt  }
0x4c: {  	_ =	shalt  }
0x4d: {  	_ =	shalt  }
0x4e: {  	_ =	shalt  }
0x4f: {  	_ =	shalt  }
0x50: {  	_ =	shalt  }
0x51: {  	_ =	shalt  }
0x52: {  	_ =	shalt  }
0x53: {  	_ =	shalt  }
0x54: {  	_ =	shalt  }
0x55: {  	_ =	shalt  }
0x56: {  	_ =	shalt  }
0x57: {  	_ =	shalt  }
0x58: {  	_ =	shalt  }
0x59: {  	_ =	shalt  }
0x5a: {  	_ =	shalt  }
0x5b: {  	_ =	shalt  }
0x5c: {  	_ =	shalt  }
0x5d: {  	_ =	shalt  }
0x5e: {  	_ =	shalt  }
0x5f: {  	_ =	shalt  }
0x60: {  	_ =	shalt  }
0x61: {  	_ =	shalt  }
0x62: {  	_ =	shalt  }
0x63: {  	_ =	shalt  }
0x64: {  	_ =	shalt  }
0x65: {  	_ =	shalt  }
0x66: {  	_ =	shalt  }
0x67: {  	_ =	shalt  }
0x68: {  	_ =	shalt  }
0x69: {  	_ =	shalt  }
0x6a: {  	_ =	shalt  }
0x6b: {  	_ =	shalt  }
0x6c: {  	_ =	shalt  }
0x6d: {  	_ =	shalt  }
0x6e: {  	_ =	shalt  }
0x6f: {  	_ =	shalt  }
0x70: {  	_ =	shalt  }
0x71: {  	_ =	shalt  }
0x72: {  	_ =	shalt  }
0x73: {  	_ =	shalt  }
0x74: {  	_ =	shalt  }
0x75: {  	_ =	shalt  }
0x76: {  	_ =	shalt  }
0x77: {  	_ =	shalt  }
0x78: {  	_ =	shalt  }
0x79: {  	_ =	shalt  }
0x7a: {  	_ =	shalt  }
0x7b: {  	_ =	shalt  }
0x7c: {  	_ =	shalt  }
0x7d: {  	_ =	shalt  }
0x7e: {  	_ =	shalt  }
0x7f: {  	_ =	shalt  }
0x80: {  	_ =	shalt  }
0x81: {  	_ =	shalt  }
0x82: {  	_ =	shalt  }
0x83: {  	_ =	shalt  }
0x84: {  	_ =	shalt  }
0x85: {  	_ =	shalt  }
0x86: {  	_ =	shalt  }
0x87: {  	_ =	shalt  }
.Lfunc_end0:
.L_simem_size_0:
called_computation.1_lowered:
.L_overlay_start_0:
0x88: {  	s2 =	sld [smem:$0x3FD9]  }
0x89: {  	s3 =	sld [smem:$0x3FFE];
	_ =	sdelay $0x1  }
0x8a: {  	s1 =	srdreg.scid  }
0x8b: {  	s0 =	sand.u32 $0x1, s1  }
0x8c: {  	s17 =	sshll.u32 s0, $0xA;
	s2 =	sadd.s32 s3, s2  }
0x8d: {  	s2 =	sadd.s32 s2, s17  }
0x8e: {  	[smem:$0x3FB8] =	sst s2  }
0x8f: {  	_ = 	snop  }
0x90: {  	s2 =	sld [smem:$0x3FD0];
	(tm) =	ssettm $0x1  }
0x91: {  	s18 =	sld [smem:$0x3FFB];
	_ =	sdelay $0x3  }
0x92: {  	_ =	strace s18  }
0x93: {  	s3 =	sld [smem:$0x3FFC];
	_ =	sdelay $0x3  }
0x94: {  	_ =	strace s3  }
0x95: {  	s3 =	sld [smem:$0x3FFD];
	_ =	sdelay $0x3  }
0x96: {  	_ =	strace s3  }
0x97: {  	_ =	strace $0x8FFFFFFF  }
0x98: {  	s19 =	sld [smem:$0x3FDB];
	_ =	sdelay $0x1  }
0x99: {  	s4 =	simm.s32 $_scs_section_size  }
0x9a: {  	s5 =	simm.s32 $_size__tile_overlayer_lowered;
	s6 =	simm.s32 $_tile_overlayer_lowered  }
0x9b: {  	s22 =	simm.s32 $0x1BFF;
	s21 =	sshll.u32 s6, $0x1;
	s3 =	sadd.s32 s4, s19  }
0x9c: {  	s7 =	simm.s32 $0x0;
	s20 =	sshll.u32 s5, $0x1;
	s5 =	sadd.s32 s21, s3  }
0x9d: {  	[timem:s7], [sflag:s22] =	dma.local [hbm:s5], s20  }
0x9e: {  	_ =	swait.ge [sflag:s22], s20  }
0x9f: {  	s4 =	ssub.s32 $0x0, s20;
	[sflag:s22] =	ssyncset.done $0x0  }
0xa0: {  	[sflag:s22] =	ssyncadd.s32 s4;
	_ =	sdelay $0x1  }
0xa1: {  	s23 =	simm.s32 $0x1B8B  }
0xa2: {  	_ =	swait.ge [sflag:s23], $0x1  }
0xa3: {  	[sflag:s23] =	ssyncset.done $0x0  }
0xa4: {  	s25 =	simm.s32 $0x1B8E;
	s24 =	sld [smem:$0x3FFE];
	[sflag:s23] =	ssyncadd.s32 $0xFFFFFFFF  }
0xa5: {  	s26 =	simm.s32 $execute0_lowered;
	[smem:$0x3FD2] =	sst s25  }
0xa6: {  	s5 =	sshll.u32 s26, $0x1;
	_ =	strace $0x80000049;
	[dreg:$0x1] =	wrdreg $0xFFFFFFFF  }
0xa7: {  	s28 =	simm.s32 $_size_execute0_lowered;
	s3 =	sadd.s32 s3, s5;
	[dreg:$0x0] =	wrdreg $0x0  }
0xa8: {  	s5 =	sshll.u32 s28, $0x1;
	[dreg:$0x2] =	wrdreg s3  }
0xa9: {  	[dreg:$0x3] =	wrdreg s5  }
0xaa: {  	[dreg:$0x4] =	wrdreg $0xC0  }
0xab: {  	_ =	task [dreg:s7], $0x5FFFF  }
0xac: {  	[dreg:$0x1] =	wrdreg $0xFFFFFFFF  }
0xad: {  	[dreg:$0x0] =	wrdreg $0x60  }
0xae: {  	[dreg:$0x2] =	wrdreg s2  }
0xaf: {  	[dreg:$0x3] =	wrdreg s24  }
0xb0: {  	[dreg:$0x4] =	wrdreg $0xA8000  }
0xb1: {  	[dreg:$0x5] =	wrdreg $0x9  }
0xb2: {  	_ =	task.clear_ibuf [dreg:s7], $0x6FFFF;
	_ =	strace $0x90000049  }
0xb3: {  	s29 =	simm.s32 $0x9;
	_ =	strace $0x8000004B  }
0xb4: {  	_ =	swait.ge [sflag:s29], $0x1  }
0xb5: {  	[sflag:s29] =	ssyncadd.s32 $0xFFFFFFFF  }
0xb6: {  	_ =	strace $0x9000004B  }
0xb7: {  	_ =	sfence  }
0xb8: {  	s30 =	sld [smem:$0x0];
	_ =	sdelay $0x2  }
0xb9: {  	s31 =	sshll.u32 s1, $0xD;
	s1 =	sshrl.u32 s1, $0x2  }
0xba: {  	s3 =	sand.u32 $0x4000, s31;
	s1 =	sadd.s32 s1, s30  }
0xbb: {  	s0 =	sor.u32 s3, s0;
	s1 =	sshll.u32 s1, $0x11  }
0xbc: {  	s0 =	sor.u32 s1, s0  }
0xbd: {  	s0 =	sadd.s32 $0x8F2B, s0  }
0xbe: {  	[sflag:s0] =	ssyncadd.remote.s32 $0x1  }
0xbf: {  	_ =	sfence.sel $0xFFFF  }
0xc0: {  	[dreg:$0x0] =	wrdreg $0xFFFFFFFF;
	(pc) =	sbr.abs _section_cstart, $3  }
0xc1: {  	[dreg:$0x1] =	wrdreg $0xFFFFFFFF  }
0xc2: {  	_ =	task.clear_ibuf [dreg:s7], $0x2FFFF;
	_ =	strace $0x9FFFFFFF  }
0xc3: {  	(tm) =	ssettm $0x7FFFFFFF  }
tec
execute0_lowered:
.L_overlay_start_1:
0x0: {  	(tag) =	ssettag $0x1  }
0x1: {  	s2 =	rddreg [dreg:$0x0]  }
0x2: {  	s5 =	rddreg [dreg:$0x1]  }
0x3: {  	s3 =	rddreg [dreg:$0x2]  }
0x4: {  	s0 =	rddreg [dreg:$0x3];
	s1 =	stileid.u32  }
0x5: {  	s6 =	srdreg.scid;
	s4 =	simm.s32 $0x0;
	s16 =	simm.s32 $0x80  }
0x6: {  	s17 =	simm.s32 $0x2800;
	s18 =	simm.s32 $0x6800;
	s19 =	simm.s32 $0x1  }
0x7: {  	s20 =	simm.s32 $0x2;
	s21 =	simm.s32 $0x2700;
	s22 =	simm.s32 $0x2780  }
0x8: {  	s23 =	simm.s32 $0x0;
	s7 =	smul.u32 $0x13C00, s1;
	s6 =	sand.u32 $0x1, s6  }
0x9: {  	[smem:$0x7FF] =	sst s4;
	s9 =	sadd.s32 $0xCC00, s5;
	s25 =	smul.u32 $0x4F000, s1  }
0xa: {  	s11 =	sadd.s32 $0x2C00, s5;
	s30 =	sshll.u32 s1, $0x6;
	s8 =	smul.u32 $0x13C000, s6  }
0xb: {  	_ =	strace $0x8000004A;
	s12 =	sshll.u32 s6, $0x4;
	s26 =	ssub.s32 $0x2, s6  }
0xc: {  	s6 =	sor.u32 $0x1C03, s30;
	s10 =	sshrl.u32 s7, $0x3;
	s28 =	sor.u32 s1, s12  }
0xd: {  	s29 =	sshrl.u32 s26, $0x1;
	s10 =	sadd.s32 s10, s5;
	s7 =	sadd.s32 s7, s8  }
0xe: {  	s8 =	sshrl.u32 s25, $0x2;
	s12 =	smul.u32 $0x2800, s28;
	s7 =	sshrl.u32 s7, $0x3  }
0xf: {  	s14 =	ssub.s32 s26, s29;
	s15 =	sadd.s32 s8, s3;
	s13 =	sadd.s32 s7, s5  }
0x10: {  	s5 =	sadd.s32 $0x16C00, s10;
	s31 =	sshrl.u32 s12, $0x3;
	s12 =	smax.u32 s14, $0x1  }
0x11: {  	s14 =	simm.s32 $0x3;
	s7 =	sadd.s32 s9, s31;
	s10 =	sadd.s32 $0x280, s31  }
0x12: {  	s8 =	sadd.s32 s11, s31;
	s9 =	sadd.s32 s9, s10;
	s10 =	sadd.s32 s11, s10  }
0x13: {  	s11 =	sadd.s32 $0x3E400, s13;
	s13 =	sshrl.u32 s15, $0x3;
	s15 =	simm.s32 $0x1400  }
.LBB2_1:
0x14: {  	[spmem:s13], [sflag:s6] =	dma.local [hbm:s5], $0x2780  }
0x15: {  	_ =	swait.ge [sflag:s14], $0x2780  }
0x16: {  	[sflag:s14] =	ssyncset.done $0x0  }
0x17: {  	[sflag:s14] =	ssyncadd.s32 $0xFFFFD880  }
0x18: {  	[bflag:$0x0] =	sbarrier.arrive $0xFFFF  }
0x19: {  	[tilespmem:s4], [sflag:$0x3] =	stream.linear.gather [hbm4b:s7+s4], $0x1400, $0x38;
	[tilespmem:$0x1E400] =	vst v63  }
0x1a: {  	_ =	swait.ge [sflag:s14], $0x1400  }
0x1b: {  	[sflag:s14] =	ssyncset.done $0x0  }
0x1c: {  	[sflag:s14] =	ssyncadd.s32 $0xFFFFEC00  }
0x1d: {  	[tilespmem:s15], [sflag:$0x3] =	stream.linear.gather [hbm4b:s8+s4], $0x1400, $0x38;
	[tilespmem:$0x1E400] =	vst v63  }
0x1e: {  	_ =	swait.ge [sflag:s14], $0x1400  }
0x1f: {  	[sflag:s14] =	ssyncset.done $0x0  }
0x20: {  	[sflag:s14] =	ssyncadd.s32 $0xFFFFEC00  }
0x21: {  	[tilespmem:s17], [sflag:$0x1] =	stream.indirect.gather [hbm4b:s2+s16], $0x80, s4, s16, $0xb8;
	[tilespmem:$0x1E400] =	vst v63  }
0x22: {  	_ = 	snop  }
0x23: {  	[tilespmem:s18], [sflag:$0x2] =	stream.indirect.gather [hbm4b:s2+s16], $0x80, s16, s16, $0xb8;
	[tilespmem:$0x1E400] =	vst v63  }
0x24: {  	_ =	swait.ge [sflag:s19], $0x4000  }
0x25: {  	[sflag:s19] =	ssyncset.done $0x0  }
0x26: {  	s24 =	simm.s32 $0x1400;
	[sflag:s19] =	ssyncadd.s32 $0xFFFFC000  }
0x27: {  	[spmem:s3] =	stream.indirect.scatter.add.f32 [tilespmem:s17], [sflag:$0x3], $0x80, s24, s16, $0xb8;
	[tilespmem:$0x1E400] =	vst v63  }
0x28: {  	_ =	swait.ge [sflag:s14], $0x4000  }
0x29: {  	[sflag:s14] =	ssyncset.done $0x0  }
0x2a: {  	s30 =	simm.s32 $0x100;
	[sflag:s14] =	ssyncadd.s32 $0xFFFFC000  }
0x2b: {  	[tilespmem:s17], [sflag:$0x1] =	stream.indirect.gather [hbm4b:s2+s16], $0x80, s30, s16, $0xb8;
	[tilespmem:$0x1E400] =	vst v63  }
0x2c: {  	_ =	swait.ge [sflag:s20], $0x4000  }
0x2d: {  	[sflag:s20] =	ssyncset.done $0x0  }
0x2e: {  	s31 =	simm.s32 $0x1480;
	[sflag:s20] =	ssyncadd.s32 $0xFFFFC000  }
0x2f: {  	[spmem:s3] =	stream.indirect.scatter.add.f32 [tilespmem:s18], [sflag:$0x3], $0x80, s31, s16, $0xb8;
	[tilespmem:$0x1E400] =	vst v63  }
0x30: {  	_ =	swait.ge [sflag:s14], $0x4000  }
0x31: {  	[sflag:s14] =	ssyncset.done $0x0  }
0x32: {  	s25 =	simm.s32 $0x180;
	s24 =	simm.s32 $0x400;
	[sflag:s14] =	ssyncadd.s32 $0xFFFFC000  }
.LBB2_2:
0x33: {  	[tilespmem:s18], [sflag:$0x2] =	stream.indirect.gather [hbm4b:s2+s16], $0x80, s25, s16, $0xb8;
	[tilespmem:$0x1E400] =	vst v63  }
0x34: {  	s25 =	smov.u32 s24  }
0x35: {  	p0 =	sne.s32 s24, $0x4800;
	s24 =	sadd.s32 $0x400, s24;
	_ =	swait.ge [sflag:s19], $0x4000  }
0x36: {  	s25 =	sshra.s32 s25, $0x2;
	[sflag:s19] =	ssyncset.done $0x0  }
0x37: {  	s26 =	sadd.s32 $0x1400, s25;
	[sflag:s19] =	ssyncadd.s32 $0xFFFFC000  }
0x38: {  	[spmem:s3] =	stream.indirect.scatter.add.f32 [tilespmem:s17], [sflag:$0x3], $0x80, s26, s16, $0xb8;
	[tilespmem:$0x1E400] =	vst v63  }
0x39: {  	_ =	swait.ge [sflag:s14], $0x4000  }
0x3a: {  	[sflag:s14] =	ssyncset.done $0x0  }
0x3b: {  	s26 =	sadd.s32 $0x100, s25;
	[sflag:s14] =	ssyncadd.s32 $0xFFFFC000  }
0x3c: {  	[tilespmem:s17], [sflag:$0x1] =	stream.indirect.gather [hbm4b:s2+s16], $0x80, s26, s16, $0xb8;
	[tilespmem:$0x1E400] =	vst v63  }
0x3d: {  	_ =	swait.ge [sflag:s20], $0x4000  }
0x3e: {  	[sflag:s20] =	ssyncset.done $0x0  }
.Ltmp0:
0x3f: {  	s26 =	sadd.s32 $0x1480, s25;
	[sflag:s20] =	ssyncadd.s32 $0xFFFFC000;
	(pc) =	sbr.rel @p0 .LBB2_2-.Ltmp0, $4  }
0x40: {  	[spmem:s3] =	stream.indirect.scatter.add.f32 [tilespmem:s18], [sflag:$0x3], $0x80, s26, s16, $0xb8;
	[tilespmem:$0x1E400] =	vst v63  }
0x41: {  	_ =	swait.ge [sflag:s14], $0x4000  }
0x42: {  	[sflag:s14] =	ssyncset.done $0x0  }
0x43: {  	s25 =	sadd.s32 $0x180, s25;
	[sflag:s14] =	ssyncadd.s32 $0xFFFFC000  }
0x44: {  	[tilespmem:s18], [sflag:$0x2] =	stream.indirect.gather [hbm4b:s2+s16], $0x80, s25, s16, $0xb8;
	[tilespmem:$0x1E400] =	vst v63  }
0x45: {  	_ =	swait.ge [sflag:s19], $0x4000  }
0x46: {  	[sflag:s19] =	ssyncset.done $0x0  }
0x47: {  	[sflag:s19] =	ssyncadd.s32 $0xFFFFC000  }
0x48: {  	[spmem:s3] =	stream.indirect.scatter.add.f32 [tilespmem:s17], [sflag:$0x3], $0x80, s21, s16, $0xb8;
	[tilespmem:$0x1E400] =	vst v63  }
0x49: {  	_ =	swait.ge [sflag:s14], $0x4000  }
0x4a: {  	[sflag:s14] =	ssyncset.done $0x0  }
0x4b: {  	[sflag:s14] =	ssyncadd.s32 $0xFFFFC000  }
0x4c: {  	_ =	swait.ge [sflag:s20], $0x4000  }
0x4d: {  	[sflag:s20] =	ssyncset.done $0x0  }
0x4e: {  	[sflag:s20] =	ssyncadd.s32 $0xFFFFC000  }
0x4f: {  	[spmem:s3] =	stream.indirect.scatter.add.f32 [tilespmem:s18], [sflag:$0x3], $0x80, s22, s16, $0xb8;
	[tilespmem:$0x1E400] =	vst v63  }
0x50: {  	_ =	swait.ge [sflag:s14], $0x4000  }
0x51: {  	[sflag:s14] =	ssyncset.done $0x0  }
0x52: {  	s24 =	simm.s32 $0x0;
	[sflag:s14] =	ssyncadd.s32 $0xFFFFC000  }
0x53: {  	[tilespmem:s24], [sflag:$0x3] =	stream.linear.gather [hbm4b:s9+s24], $0x1400, $0x38;
	[tilespmem:$0x1E400] =	vst v63  }
0x54: {  	_ =	swait.ge [sflag:s14], $0x1400  }
0x55: {  	[sflag:s14] =	ssyncset.done $0x0  }
0x56: {  	[sflag:s14] =	ssyncadd.s32 $0xFFFFEC00  }
0x57: {  	[tilespmem:s15], [sflag:$0x3] =	stream.linear.gather [hbm4b:s10+s24], $0x1400, $0x38;
	[tilespmem:$0x1E400] =	vst v63  }
0x58: {  	_ =	swait.ge [sflag:s14], $0x1400  }
0x59: {  	[sflag:s14] =	ssyncset.done $0x0  }
0x5a: {  	[sflag:s14] =	ssyncadd.s32 $0xFFFFEC00  }
0x5b: {  	[tilespmem:s17], [sflag:$0x1] =	stream.indirect.gather [hbm4b:s2+s16], $0x80, s24, s16, $0xb8;
	[tilespmem:$0x1E400] =	vst v63  }
0x5c: {  	_ = 	snop  }
0x5d: {  	[tilespmem:s18], [sflag:$0x2] =	stream.indirect.gather [hbm4b:s2+s16], $0x80, s16, s16, $0xb8;
	[tilespmem:$0x1E400] =	vst v63  }
0x5e: {  	_ =	swait.ge [sflag:s19], $0x4000  }
0x5f: {  	[sflag:s19] =	ssyncset.done $0x0  }
0x60: {  	s29 =	simm.s32 $0x1400;
	[sflag:s19] =	ssyncadd.s32 $0xFFFFC000  }
0x61: {  	[spmem:s3] =	stream.indirect.scatter.add.f32 [tilespmem:s17], [sflag:$0x3], $0x80, s29, s16, $0xb8;
	[tilespmem:$0x1E400] =	vst v63  }
0x62: {  	_ =	swait.ge [sflag:s14], $0x4000  }
0x63: {  	[sflag:s14] =	ssyncset.done $0x0  }
0x64: {  	s30 =	simm.s32 $0x100;
	[sflag:s14] =	ssyncadd.s32 $0xFFFFC000  }
0x65: {  	[tilespmem:s17], [sflag:$0x1] =	stream.indirect.gather [hbm4b:s2+s16], $0x80, s30, s16, $0xb8;
	[tilespmem:$0x1E400] =	vst v63  }
0x66: {  	_ =	swait.ge [sflag:s20], $0x4000  }
0x67: {  	[sflag:s20] =	ssyncset.done $0x0  }
0x68: {  	s31 =	simm.s32 $0x1480;
	[sflag:s20] =	ssyncadd.s32 $0xFFFFC000  }
0x69: {  	[spmem:s3] =	stream.indirect.scatter.add.f32 [tilespmem:s18], [sflag:$0x3], $0x80, s31, s16, $0xb8;
	[tilespmem:$0x1E400] =	vst v63  }
0x6a: {  	_ =	swait.ge [sflag:s14], $0x4000  }
0x6b: {  	[sflag:s14] =	ssyncset.done $0x0  }
0x6c: {  	s25 =	simm.s32 $0x180;
	s24 =	simm.s32 $0x400;
	[sflag:s14] =	ssyncadd.s32 $0xFFFFC000  }
.LBB2_4:
0x6d: {  	[tilespmem:s18], [sflag:$0x2] =	stream.indirect.gather [hbm4b:s2+s16], $0x80, s25, s16, $0xb8;
	[tilespmem:$0x1E400] =	vst v63  }
0x6e: {  	s25 =	smov.u32 s24  }
0x6f: {  	p0 =	sne.s32 s24, $0x4800;
	s24 =	sadd.s32 $0x400, s24;
	_ =	swait.ge [sflag:s19], $0x4000  }
0x70: {  	s25 =	sshra.s32 s25, $0x2;
	[sflag:s19] =	ssyncset.done $0x0  }
0x71: {  	s26 =	sadd.s32 $0x1400, s25;
	[sflag:s19] =	ssyncadd.s32 $0xFFFFC000  }
0x72: {  	[spmem:s3] =	stream.indirect.scatter.add.f32 [tilespmem:s17], [sflag:$0x3], $0x80, s26, s16, $0xb8;
	[tilespmem:$0x1E400] =	vst v63  }
0x73: {  	_ =	swait.ge [sflag:s14], $0x4000  }
0x74: {  	[sflag:s14] =	ssyncset.done $0x0  }
0x75: {  	s26 =	sadd.s32 $0x100, s25;
	[sflag:s14] =	ssyncadd.s32 $0xFFFFC000  }
0x76: {  	[tilespmem:s17], [sflag:$0x1] =	stream.indirect.gather [hbm4b:s2+s16], $0x80, s26, s16, $0xb8;
	[tilespmem:$0x1E400] =	vst v63  }
0x77: {  	_ =	swait.ge [sflag:s20], $0x4000  }
0x78: {  	[sflag:s20] =	ssyncset.done $0x0  }
.Ltmp1:
0x79: {  	s26 =	sadd.s32 $0x1480, s25;
	[sflag:s20] =	ssyncadd.s32 $0xFFFFC000;
	(pc) =	sbr.rel @p0 .LBB2_4-.Ltmp1, $4  }
0x7a: {  	[spmem:s3] =	stream.indirect.scatter.add.f32 [tilespmem:s18], [sflag:$0x3], $0x80, s26, s16, $0xb8;
	[tilespmem:$0x1E400] =	vst v63  }
0x7b: {  	_ =	swait.ge [sflag:s14], $0x4000  }
0x7c: {  	[sflag:s14] =	ssyncset.done $0x0  }
0x7d: {  	s25 =	sadd.s32 $0x180, s25;
	[sflag:s14] =	ssyncadd.s32 $0xFFFFC000  }
0x7e: {  	[tilespmem:s18], [sflag:$0x2] =	stream.indirect.gather [hbm4b:s2+s16], $0x80, s25, s16, $0xb8;
	[tilespmem:$0x1E400] =	vst v63  }
0x7f: {  	_ =	swait.ge [sflag:s19], $0x4000  }
0x80: {  	[sflag:s19] =	ssyncset.done $0x0  }
0x81: {  	[sflag:s19] =	ssyncadd.s32 $0xFFFFC000  }
0x82: {  	[spmem:s3] =	stream.indirect.scatter.add.f32 [tilespmem:s17], [sflag:$0x3], $0x80, s21, s16, $0xb8;
	[tilespmem:$0x1E400] =	vst v63  }
0x83: {  	_ =	swait.ge [sflag:s14], $0x4000  }
0x84: {  	[sflag:s14] =	ssyncset.done $0x0  }
0x85: {  	[sflag:s14] =	ssyncadd.s32 $0xFFFFC000  }
0x86: {  	_ =	swait.ge [sflag:s20], $0x4000  }
0x87: {  	[sflag:s20] =	ssyncset.done $0x0  }
0x88: {  	[sflag:s20] =	ssyncadd.s32 $0xFFFFC000  }
0x89: {  	[spmem:s3] =	stream.indirect.scatter.add.f32 [tilespmem:s18], [sflag:$0x3], $0x80, s22, s16, $0xb8;
	[tilespmem:$0x1E400] =	vst v63  }
0x8a: {  	_ =	swait.ge [sflag:s14], $0x4000  }
0x8b: {  	s23 =	sadd.s32 $0x1, s23;
	[sflag:s14] =	ssyncset.done $0x0  }
0x8c: {  	p0 =	sne.s32 s23, s12;
	[sflag:s14] =	ssyncadd.s32 $0xFFFFC000  }
.Ltmp2:
0x8d: {  	[bflag:$0x0] =	sbarrier.arrive $0xFFFF;
	(pc) =	sbr.rel @p0 .LBB2_1-.Ltmp2, $4  }
0x8e: {  	[hbm:s11], [sflag:s6] =	dma.local [spmem:s13], $0x2780  }
0x8f: {  	_ =	swait.ge [sflag:s14], $0x2780  }
0x90: {  	[sflag:s14] =	ssyncset.done $0x0  }
0x91: {  	[sflag:s14] =	ssyncadd.s32 $0xFFFFD880  }
0x92: {  	_ =	sfence.sel $0x180000  }
0x93: {  	[bflag:$0x0] =	sbarrier.arrive $0xFFFF  }
0x94: {  	p0 =	sne.s32 s1, $0x0;
	_ =	strace $0x9000004A  }
0x95: {  	s0 =	sadd.s32 @!p0 $0x100000, s0;
	[bflag:$0x2] =	sbarrier.arrive $0xFFFF  }
0x96: {  	[sflag:s0] =	ssyncadd.tile.s32 @!p0 $0x1;
	_ =	shalt  }
.Lfunc_end2:
_tile_overlayer_lowered:
.L_overlay_start_2:
0x97: {  	(tag) =	ssettag $0x2  }
0x98: {  	s0 =	rddreg [dreg:$0x0];
	s2 =	stileid.u32  }
0x99: {  	s1 =	rddreg [dreg:$0x1];
	p0 =	sne.s32 s2, $0x0  }
0x9a: {  	s3 =	rddreg [dreg:$0x2];
	[bflag:$0x3] =	sbarrier.arrive $0xFFFF;
	s2 =	simm.s32 @!p0 $0x1C03  }
0x9b: {  	[timem:s3], [sflag:s2] =	dma.local @!p0 [hbm:s0], s1  }
0x9c: {  	s0 =	simm.s32 @!p0 $0x3  }
0x9d: {  	_ =	swait.ge @!p0 [sflag:s0], s1  }
0x9e: {  	s1 =	ssub.s32 @!p0 $0x0, s1;
	[sflag:s0] =	ssyncset.done @!p0 $0x0  }
0x9f: {  	[sflag:s0] =	ssyncadd.s32 @!p0 s1  }
0xa0: {  	[bflag:$0x3] =	sbarrier.arrive $0xFFFF  }
0xa1: {  	_ =	shalt  }

</sc_bundles>
